<compile_context>
chip_gen: v7x
topology: tpu7x:2x2x1
jax: 0.10.2.dev20260603
libtpu: 0.0.44.dev20260713+nightly
codegen_flags: <defaults>
</compile_context>

<pallas_src>
import functools

import jax
import jax.numpy as jnp
from jax import lax
from jax.experimental import pallas as pl
from jax.experimental.pallas import tpu as pltpu
from jax.experimental.pallas import tpu_sc as plsc

_NUM_TASKS = 512
_MAX_COUNT_CAP = 64
_LAG_WEEKS = 4
_CONFIDENCE_LOGIT = 12.0
_OFF_LOGIT = -12.0

_K = _MAX_COUNT_CAP + 1
_BATCH = 4096
_BLK = 128
_NBLOCKS = _BATCH * _NUM_TASKS // _BLK
_NW = 32
_BLOCKS_PER_W = _NBLOCKS // _NW
_NBUF = 4
_L = 16
_MAGIC = 12582912.0


def _fill_block(buf, value):
    vec = jnp.full((_L,), value, jnp.float32)
    lanes = lax.iota(jnp.int32, _L)

    def _row(r, carry):
        rv = jnp.zeros((_L,), jnp.int32) + r
        for c in range(5):
            cv = jnp.minimum(lanes + c * _L, _MAX_COUNT_CAP)
            plsc.store_scatter(buf, [rv, cv], vec)
        return carry

    lax.fori_loop(0, _BLK, _row, 0)


def _sc_body(
    lag_hbm,
    out_hbm,
    bufs,
    idxs,
    lags,
    osems,
    lsems,
):
    wid = lax.axis_index("s") * 2 + lax.axis_index("c")
    base = wid * _BLOCKS_PER_W

    for s in range(_NBUF):
        _fill_block(bufs[s], _OFF_LOGIT)

    lanes = lax.iota(jnp.int32, _L)
    hit = jnp.full((_L,), _CONFIDENCE_LOGIT, jnp.float32)
    off = jnp.full((_L,), _OFF_LOGIT, jnp.float32)

    def _dst(h):
        return out_hbm.at[pl.ds((base + h) * _BLK, _BLK)]

    def _lag_fetch(h, s):
        return pltpu.async_copy(
            lag_hbm.at[pl.ds(base + h, 1)], lags[s], lsems[s]
        )

    for s in range(_NBUF):
        _lag_fetch(s, s)

    def _process(h, s):
        buf, idx, lag = bufs[s], idxs[s], lags[s]

        @pl.when(h >= _NBUF)
        def _():
            pltpu.make_async_copy(buf, _dst(h - _NBUF), osems[s]).wait()

        pltpu.make_async_copy(
            lag_hbm.at[pl.ds(base + h, 1)], lag, lsems[s]
        ).wait()

        for c in range(_BLK // _L):
            tv = lanes + c * _L
            sl = pl.ds(c * _L, _L)

            @pl.when(h >= _NBUF)
            def _():
                plsc.store_scatter(buf, [tv, idx[sl]], off)

            x = lag[0, sl]
            y = jnp.minimum(
                jnp.maximum((x + _MAGIC) - _MAGIC, 0.0),
                float(_MAX_COUNT_CAP),
            )
            cv = y.astype(jnp.int32)
            idx[sl] = cv
            plsc.store_scatter(buf, [tv, cv], hit)

        pltpu.async_copy(buf, _dst(h), osems[s])

        @pl.when(h + _NBUF < _BLOCKS_PER_W)
        def _():
            _lag_fetch(h + _NBUF, s)

    def _step(i, carry):
        for s in range(_NBUF):
            _process(_NBUF * i + s, s)
        return carry

    lax.fori_loop(0, _BLOCKS_PER_W // _NBUF, _step, 0)
    for s in range(_NBUF):
        pltpu.make_async_copy(
            bufs[s], _dst(_BLOCKS_PER_W - _NBUF + s), osems[s]
        ).wait()


@jax.jit
def kernel(sequence):
    batch_size, window_size, _ = sequence.shape
    lag = sequence[:, window_size - _LAG_WEEKS, :_NUM_TASKS]
    lag2 = lag.reshape(batch_size * _NUM_TASKS // _BLK, _BLK)
    mesh = plsc.VectorSubcoreMesh(core_axis_name="c", subcore_axis_name="s")

    def body(lag_hbm, out_hbm, *scratch):
        bufs = scratch[0:_NBUF]
        idxs = scratch[_NBUF : 2 * _NBUF]
        lags = scratch[2 * _NBUF : 3 * _NBUF]
        osems = scratch[3 * _NBUF : 4 * _NBUF]
        lsems = scratch[4 * _NBUF : 5 * _NBUF]
        _sc_body(lag_hbm, out_hbm, bufs, idxs, lags, osems, lsems)

    sc = functools.partial(
        pl.kernel,
        mesh=mesh,
        compiler_params=pltpu.CompilerParams(needs_layout_passes=False),
        out_type=jax.ShapeDtypeStruct(
            (batch_size * _NUM_TASKS, _K), jnp.float32
        ),
        scratch_types=[pltpu.VMEM((_BLK, _K), jnp.float32)] * _NBUF
        + [pltpu.VMEM((_BLK,), jnp.int32)] * _NBUF
        + [pltpu.VMEM((1, _BLK), jnp.float32)] * _NBUF
        + [pltpu.SemaphoreType.DMA] * (2 * _NBUF),
    )(body)
    flat = sc(lag2)
    return flat.reshape(batch_size, _NUM_TASKS, _K)

# --- scband reference (transcript-rebuilt; emitter-appended) ---
"""Pipeline reference for scband-structured-occurrence-model-26749056320352 (READ-ONLY COPY).

The authoritative reference and input builder live on the scoring server;
editing this copy changes nothing except your own understanding.
"""

import jax, jax.numpy as jnp
import numpy as np

NUM_TASKS = 512
MAX_COUNT_CAP = 64
LAG_WEEKS = 4
CONFIDENCE_LOGIT = 12.0
OFF_LOGIT = -12.0


def setup_inputs(seed: int = 0) -> dict:
    key = jax.random.key(seed)
    sequence = jax.random.normal(key, (4096, 50, 512), dtype=jnp.float32)
    return {"sequence": sequence}


def reference(sequence):
    batch_size, window_size, _ = sequence.shape
    # window_size (50) >= lag_weeks (4): use same-phase counts lag_weeks back
    lag_source = sequence[:, -LAG_WEEKS, :NUM_TASKS]
    pred_counts = jnp.clip(jnp.round(lag_source).astype(jnp.int32), 0, MAX_COUNT_CAP)
    logits = jnp.full((batch_size, NUM_TASKS, MAX_COUNT_CAP + 1), OFF_LOGIT, dtype=sequence.dtype)
    b_idx = jnp.arange(batch_size)[:, None]
    t_idx = jnp.arange(NUM_TASKS)[None, :]
    # scatter-overwrite along last dim (torch scatter_ dim=2 equivalent)
    logits = logits.at[b_idx, t_idx, pred_counts].set(CONFIDENCE_LOGIT)
    return logits

if __name__ == "__main__":
    import jax
    _d = setup_inputs()
    print(jax.jit(kernel)(*tuple(_d.values())))

</pallas_src>

<mosaic_0001>
#map = affine_map<(d0, d1) -> (0, 0)>
module attributes {stable_mosaic.version = 14 : i64} {
  func.func @body(%arg0: i32, %arg1: i32, %arg2: memref<16384x128xf32, #tpu.memory_space<hbm>>, %arg3: memref<2097152x65xf32, #tpu.memory_space<hbm>>, %arg4: memref<128x65xf32, #tpu.memory_space<vmem>>, %arg5: memref<128x65xf32, #tpu.memory_space<vmem>>, %arg6: memref<128x65xf32, #tpu.memory_space<vmem>>, %arg7: memref<128x65xf32, #tpu.memory_space<vmem>>, %arg8: memref<128xi32, #tpu.memory_space<vmem>>, %arg9: memref<128xi32, #tpu.memory_space<vmem>>, %arg10: memref<128xi32, #tpu.memory_space<vmem>>, %arg11: memref<128xi32, #tpu.memory_space<vmem>>, %arg12: memref<1x128xf32, #tpu.memory_space<vmem>>, %arg13: memref<1x128xf32, #tpu.memory_space<vmem>>, %arg14: memref<1x128xf32, #tpu.memory_space<vmem>>, %arg15: memref<1x128xf32, #tpu.memory_space<vmem>>, %arg16: memref<!tpu.dma_semaphore, #tpu.memory_space<semaphore_mem>>, %arg17: memref<!tpu.dma_semaphore, #tpu.memory_space<semaphore_mem>>, %arg18: memref<!tpu.dma_semaphore, #tpu.memory_space<semaphore_mem>>, %arg19: memref<!tpu.dma_semaphore, #tpu.memory_space<semaphore_mem>>, %arg20: memref<!tpu.dma_semaphore, #tpu.memory_space<semaphore_mem>>, %arg21: memref<!tpu.dma_semaphore, #tpu.memory_space<semaphore_mem>>, %arg22: memref<!tpu.dma_semaphore, #tpu.memory_space<semaphore_mem>>, %arg23: memref<!tpu.dma_semaphore, #tpu.memory_space<semaphore_mem>>) attributes {dimension_semantics = [#tpu.dimension_semantics<core_parallel>, #tpu.dimension_semantics<subcore_parallel>], iteration_bounds = array<i64: 2, 16>, scalar_prefetch = 0 : i64, scratch_operands = 20 : i64, tpu.core_type = #tpu.core_type<sc_vector_subcore>, window_params = [{transform_indices = #map}, {transform_indices = #map}]} {
    %mul3A = arith.constant 2 : i32
    %mul3A_0 = arith.muli %arg1, %mul3A : i32
    %add3A = arith.addi %mul3A_0, %arg0 : i32
    %mul3A_1 = arith.constant 512 : i32
    %mul3A_2 = arith.muli %add3A, %mul3A_1 : i32
    %broadcast_in_dim3A = arith.constant -1.200000e+01 : f32
    %broadcast_in_dim3A_3 = vector.broadcast %broadcast_in_dim3A : f32 to vector<16xf32>
    %iota3A = tpu.iota {dimensions = array<i32: 0>} : vector<16xi32>
    %scan3A = arith.constant 0 : i32
    %scan3A_4 = arith.constant 0 : i32
    %scan3A_5 = arith.constant 128 : i32
    %scan3A_6 = arith.addi %scan3A_4, %scan3A_5 : i32
    %scan3A_7 = arith.constant 1 : i32
    scf.for %scan3A_101 = %scan3A_4 to %scan3A_6 step %scan3A_7  : i32 {
      %broadcast_in_dim3A_102 = arith.constant 0 : i32
      %broadcast_in_dim3A_103 = vector.broadcast %broadcast_in_dim3A_102 : i32 to vector<16xi32>
      %add3A_104 = vector.broadcast %scan3A_101 : i32 to vector<16xi32>
      %add3A_105 = arith.addi %broadcast_in_dim3A_103, %add3A_104 : vector<16xi32>
      %add3A_106 = arith.constant 0 : i32
      %add3A_107 = vector.broadcast %add3A_106 : i32 to vector<16xi32>
      %add3A_108 = arith.addi %iota3A, %add3A_107 : vector<16xi32>
      %min3A = arith.constant 64 : i32
      %min3A_109 = vector.broadcast %min3A : i32 to vector<16xi32>
      %min3A_110 = arith.minsi %add3A_108, %min3A_109 : vector<16xi32>
      tpu.vector_store_idx %arg4[%add3A_105, %min3A_110], %broadcast_in_dim3A_3 : memref<128x65xf32, #tpu.memory_space<vmem>>[vector<16xi32>, vector<16xi32>], vector<16xf32>,
      %add3A_111 = arith.constant 16 : i32
      %add3A_112 = vector.broadcast %add3A_111 : i32 to vector<16xi32>
      %add3A_113 = arith.addi %iota3A, %add3A_112 : vector<16xi32>
      %min3A_114 = arith.constant 64 : i32
      %min3A_115 = vector.broadcast %min3A_114 : i32 to vector<16xi32>
      %min3A_116 = arith.minsi %add3A_113, %min3A_115 : vector<16xi32>
      tpu.vector_store_idx %arg4[%add3A_105, %min3A_116], %broadcast_in_dim3A_3 : memref<128x65xf32, #tpu.memory_space<vmem>>[vector<16xi32>, vector<16xi32>], vector<16xf32>,
      %add3A_117 = arith.constant 32 : i32
      %add3A_118 = vector.broadcast %add3A_117 : i32 to vector<16xi32>
      %add3A_119 = arith.addi %iota3A, %add3A_118 : vector<16xi32>
      %min3A_120 = arith.constant 64 : i32
      %min3A_121 = vector.broadcast %min3A_120 : i32 to vector<16xi32>
      %min3A_122 = arith.minsi %add3A_119, %min3A_121 : vector<16xi32>
      tpu.vector_store_idx %arg4[%add3A_105, %min3A_122], %broadcast_in_dim3A_3 : memref<128x65xf32, #tpu.memory_space<vmem>>[vector<16xi32>, vector<16xi32>], vector<16xf32>,
      %add3A_123 = arith.constant 48 : i32
      %add3A_124 = vector.broadcast %add3A_123 : i32 to vector<16xi32>
      %add3A_125 = arith.addi %iota3A, %add3A_124 : vector<16xi32>
      %min3A_126 = arith.constant 64 : i32
      %min3A_127 = vector.broadcast %min3A_126 : i32 to vector<16xi32>
      %min3A_128 = arith.minsi %add3A_125, %min3A_127 : vector<16xi32>
      tpu.vector_store_idx %arg4[%add3A_105, %min3A_128], %broadcast_in_dim3A_3 : memref<128x65xf32, #tpu.memory_space<vmem>>[vector<16xi32>, vector<16xi32>], vector<16xf32>,
      %add3A_129 = arith.constant 64 : i32
      %add3A_130 = vector.broadcast %add3A_129 : i32 to vector<16xi32>
      %add3A_131 = arith.addi %iota3A, %add3A_130 : vector<16xi32>
      %min3A_132 = arith.constant 64 : i32
      %min3A_133 = vector.broadcast %min3A_132 : i32 to vector<16xi32>
      %min3A_134 = arith.minsi %add3A_131, %min3A_133 : vector<16xi32>
      tpu.vector_store_idx %arg4[%add3A_105, %min3A_134], %broadcast_in_dim3A_3 : memref<128x65xf32, #tpu.memory_space<vmem>>[vector<16xi32>, vector<16xi32>], vector<16xf32>,
    }
    %scan3A_8 = arith.constant 128 : i32
    %broadcast_in_dim3A_9 = arith.constant -1.200000e+01 : f32
    %broadcast_in_dim3A_10 = vector.broadcast %broadcast_in_dim3A_9 : f32 to vector<16xf32>
    %iota3A_11 = tpu.iota {dimensions = array<i32: 0>} : vector<16xi32>
    %scan3A_12 = arith.constant 0 : i32
    %scan3A_13 = arith.constant 0 : i32
    %scan3A_14 = arith.constant 128 : i32
    %scan3A_15 = arith.addi %scan3A_13, %scan3A_14 : i32
    %scan3A_16 = arith.constant 1 : i32
    scf.for %scan3A_101 = %scan3A_13 to %scan3A_15 step %scan3A_16  : i32 {
      %broadcast_in_dim3A_102 = arith.constant 0 : i32
      %broadcast_in_dim3A_103 = vector.broadcast %broadcast_in_dim3A_102 : i32 to vector<16xi32>
      %add3A_104 = vector.broadcast %scan3A_101 : i32 to vector<16xi32>
      %add3A_105 = arith.addi %broadcast_in_dim3A_103, %add3A_104 : vector<16xi32>
      %add3A_106 = arith.constant 0 : i32
      %add3A_107 = vector.broadcast %add3A_106 : i32 to vector<16xi32>
      %add3A_108 = arith.addi %iota3A_11, %add3A_107 : vector<16xi32>
      %min3A = arith.constant 64 : i32
      %min3A_109 = vector.broadcast %min3A : i32 to vector<16xi32>
      %min3A_110 = arith.minsi %add3A_108, %min3A_109 : vector<16xi32>
      tpu.vector_store_idx %arg5[%add3A_105, %min3A_110], %broadcast_in_dim3A_10 : memref<128x65xf32, #tpu.memory_space<vmem>>[vector<16xi32>, vector<16xi32>], vector<16xf32>,
      %add3A_111 = arith.constant 16 : i32
      %add3A_112 = vector.broadcast %add3A_111 : i32 to vector<16xi32>
      %add3A_113 = arith.addi %iota3A_11, %add3A_112 : vector<16xi32>
      %min3A_114 = arith.constant 64 : i32
      %min3A_115 = vector.broadcast %min3A_114 : i32 to vector<16xi32>
      %min3A_116 = arith.minsi %add3A_113, %min3A_115 : vector<16xi32>
      tpu.vector_store_idx %arg5[%add3A_105, %min3A_116], %broadcast_in_dim3A_10 : memref<128x65xf32, #tpu.memory_space<vmem>>[vector<16xi32>, vector<16xi32>], vector<16xf32>,
      %add3A_117 = arith.constant 32 : i32
      %add3A_118 = vector.broadcast %add3A_117 : i32 to vector<16xi32>
      %add3A_119 = arith.addi %iota3A_11, %add3A_118 : vector<16xi32>
      %min3A_120 = arith.constant 64 : i32
      %min3A_121 = vector.broadcast %min3A_120 : i32 to vector<16xi32>
      %min3A_122 = arith.minsi %add3A_119, %min3A_121 : vector<16xi32>
      tpu.vector_store_idx %arg5[%add3A_105, %min3A_122], %broadcast_in_dim3A_10 : memref<128x65xf32, #tpu.memory_space<vmem>>[vector<16xi32>, vector<16xi32>], vector<16xf32>,
      %add3A_123 = arith.constant 48 : i32
      %add3A_124 = vector.broadcast %add3A_123 : i32 to vector<16xi32>
      %add3A_125 = arith.addi %iota3A_11, %add3A_124 : vector<16xi32>
      %min3A_126 = arith.constant 64 : i32
      %min3A_127 = vector.broadcast %min3A_126 : i32 to vector<16xi32>
      %min3A_128 = arith.minsi %add3A_125, %min3A_127 : vector<16xi32>
      tpu.vector_store_idx %arg5[%add3A_105, %min3A_128], %broadcast_in_dim3A_10 : memref<128x65xf32, #tpu.memory_space<vmem>>[vector<16xi32>, vector<16xi32>], vector<16xf32>,
      %add3A_129 = arith.constant 64 : i32
      %add3A_130 = vector.broadcast %add3A_129 : i32 to vector<16xi32>
      %add3A_131 = arith.addi %iota3A_11, %add3A_130 : vector<16xi32>
      %min3A_132 = arith.constant 64 : i32
      %min3A_133 = vector.broadcast %min3A_132 : i32 to vector<16xi32>
      %min3A_134 = arith.minsi %add3A_131, %min3A_133 : vector<16xi32>
      tpu.vector_store_idx %arg5[%add3A_105, %min3A_134], %broadcast_in_dim3A_10 : memref<128x65xf32, #tpu.memory_space<vmem>>[vector<16xi32>, vector<16xi32>], vector<16xf32>,
    }
    %scan3A_17 = arith.constant 128 : i32
    %broadcast_in_dim3A_18 = arith.constant -1.200000e+01 : f32
    %broadcast_in_dim3A_19 = vector.broadcast %broadcast_in_dim3A_18 : f32 to vector<16xf32>
    %iota3A_20 = tpu.iota {dimensions = array<i32: 0>} : vector<16xi32>
    %scan3A_21 = arith.constant 0 : i32
    %scan3A_22 = arith.constant 0 : i32
    %scan3A_23 = arith.constant 128 : i32
    %scan3A_24 = arith.addi %scan3A_22, %scan3A_23 : i32
    %scan3A_25 = arith.constant 1 : i32
    scf.for %scan3A_101 = %scan3A_22 to %scan3A_24 step %scan3A_25  : i32 {
      %broadcast_in_dim3A_102 = arith.constant 0 : i32
      %broadcast_in_dim3A_103 = vector.broadcast %broadcast_in_dim3A_102 : i32 to vector<16xi32>
      %add3A_104 = vector.broadcast %scan3A_101 : i32 to vector<16xi32>
      %add3A_105 = arith.addi %broadcast_in_dim3A_103, %add3A_104 : vector<16xi32>
      %add3A_106 = arith.constant 0 : i32
      %add3A_107 = vector.broadcast %add3A_106 : i32 to vector<16xi32>
      %add3A_108 = arith.addi %iota3A_20, %add3A_107 : vector<16xi32>
      %min3A = arith.constant 64 : i32
      %min3A_109 = vector.broadcast %min3A : i32 to vector<16xi32>
      %min3A_110 = arith.minsi %add3A_108, %min3A_109 : vector<16xi32>
      tpu.vector_store_idx %arg6[%add3A_105, %min3A_110], %broadcast_in_dim3A_19 : memref<128x65xf32, #tpu.memory_space<vmem>>[vector<16xi32>, vector<16xi32>], vector<16xf32>,
      %add3A_111 = arith.constant 16 : i32
      %add3A_112 = vector.broadcast %add3A_111 : i32 to vector<16xi32>
      %add3A_113 = arith.addi %iota3A_20, %add3A_112 : vector<16xi32>
      %min3A_114 = arith.constant 64 : i32
      %min3A_115 = vector.broadcast %min3A_114 : i32 to vector<16xi32>
      %min3A_116 = arith.minsi %add3A_113, %min3A_115 : vector<16xi32>
      tpu.vector_store_idx %arg6[%add3A_105, %min3A_116], %broadcast_in_dim3A_19 : memref<128x65xf32, #tpu.memory_space<vmem>>[vector<16xi32>, vector<16xi32>], vector<16xf32>,
      %add3A_117 = arith.constant 32 : i32
      %add3A_118 = vector.broadcast %add3A_117 : i32 to vector<16xi32>
      %add3A_119 = arith.addi %iota3A_20, %add3A_118 : vector<16xi32>
      %min3A_120 = arith.constant 64 : i32
      %min3A_121 = vector.broadcast %min3A_120 : i32 to vector<16xi32>
      %min3A_122 = arith.minsi %add3A_119, %min3A_121 : vector<16xi32>
      tpu.vector_store_idx %arg6[%add3A_105, %min3A_122], %broadcast_in_dim3A_19 : memref<128x65xf32, #tpu.memory_space<vmem>>[vector<16xi32>, vector<16xi32>], vector<16xf32>,
      %add3A_123 = arith.constant 48 : i32
      %add3A_124 = vector.broadcast %add3A_123 : i32 to vector<16xi32>
      %add3A_125 = arith.addi %iota3A_20, %add3A_124 : vector<16xi32>
      %min3A_126 = arith.constant 64 : i32
      %min3A_127 = vector.broadcast %min3A_126 : i32 to vector<16xi32>
      %min3A_128 = arith.minsi %add3A_125, %min3A_127 : vector<16xi32>
      tpu.vector_store_idx %arg6[%add3A_105, %min3A_128], %broadcast_in_dim3A_19 : memref<128x65xf32, #tpu.memory_space<vmem>>[vector<16xi32>, vector<16xi32>], vector<16xf32>,
      %add3A_129 = arith.constant 64 : i32
      %add3A_130 = vector.broadcast %add3A_129 : i32 to vector<16xi32>
      %add3A_131 = arith.addi %iota3A_20, %add3A_130 : vector<16xi32>
      %min3A_132 = arith.constant 64 : i32
      %min3A_133 = vector.broadcast %min3A_132 : i32 to vector<16xi32>
      %min3A_134 = arith.minsi %add3A_131, %min3A_133 : vector<16xi32>
      tpu.vector_store_idx %arg6[%add3A_105, %min3A_134], %broadcast_in_dim3A_19 : memref<128x65xf32, #tpu.memory_space<vmem>>[vector<16xi32>, vector<16xi32>], vector<16xf32>,
    }
    %scan3A_26 = arith.constant 128 : i32
    %broadcast_in_dim3A_27 = arith.constant -1.200000e+01 : f32
    %broadcast_in_dim3A_28 = vector.broadcast %broadcast_in_dim3A_27 : f32 to vector<16xf32>
    %iota3A_29 = tpu.iota {dimensions = array<i32: 0>} : vector<16xi32>
    %scan3A_30 = arith.constant 0 : i32
    %scan3A_31 = arith.constant 0 : i32
    %scan3A_32 = arith.constant 128 : i32
    %scan3A_33 = arith.addi %scan3A_31, %scan3A_32 : i32
    %scan3A_34 = arith.constant 1 : i32
    scf.for %scan3A_101 = %scan3A_31 to %scan3A_33 step %scan3A_34  : i32 {
      %broadcast_in_dim3A_102 = arith.constant 0 : i32
      %broadcast_in_dim3A_103 = vector.broadcast %broadcast_in_dim3A_102 : i32 to vector<16xi32>
      %add3A_104 = vector.broadcast %scan3A_101 : i32 to vector<16xi32>
      %add3A_105 = arith.addi %broadcast_in_dim3A_103, %add3A_104 : vector<16xi32>
      %add3A_106 = arith.constant 0 : i32
      %add3A_107 = vector.broadcast %add3A_106 : i32 to vector<16xi32>
      %add3A_108 = arith.addi %iota3A_29, %add3A_107 : vector<16xi32>
      %min3A = arith.constant 64 : i32
      %min3A_109 = vector.broadcast %min3A : i32 to vector<16xi32>
      %min3A_110 = arith.minsi %add3A_108, %min3A_109 : vector<16xi32>
      tpu.vector_store_idx %arg7[%add3A_105, %min3A_110], %broadcast_in_dim3A_28 : memref<128x65xf32, #tpu.memory_space<vmem>>[vector<16xi32>, vector<16xi32>], vector<16xf32>,
      %add3A_111 = arith.constant 16 : i32
      %add3A_112 = vector.broadcast %add3A_111 : i32 to vector<16xi32>
      %add3A_113 = arith.addi %iota3A_29, %add3A_112 : vector<16xi32>
      %min3A_114 = arith.constant 64 : i32
      %min3A_115 = vector.broadcast %min3A_114 : i32 to vector<16xi32>
      %min3A_116 = arith.minsi %add3A_113, %min3A_115 : vector<16xi32>
      tpu.vector_store_idx %arg7[%add3A_105, %min3A_116], %broadcast_in_dim3A_28 : memref<128x65xf32, #tpu.memory_space<vmem>>[vector<16xi32>, vector<16xi32>], vector<16xf32>,
      %add3A_117 = arith.constant 32 : i32
      %add3A_118 = vector.broadcast %add3A_117 : i32 to vector<16xi32>
      %add3A_119 = arith.addi %iota3A_29, %add3A_118 : vector<16xi32>
      %min3A_120 = arith.constant 64 : i32
      %min3A_121 = vector.broadcast %min3A_120 : i32 to vector<16xi32>
      %min3A_122 = arith.minsi %add3A_119, %min3A_121 : vector<16xi32>
      tpu.vector_store_idx %arg7[%add3A_105, %min3A_122], %broadcast_in_dim3A_28 : memref<128x65xf32, #tpu.memory_space<vmem>>[vector<16xi32>, vector<16xi32>], vector<16xf32>,
      %add3A_123 = arith.constant 48 : i32
      %add3A_124 = vector.broadcast %add3A_123 : i32 to vector<16xi32>
      %add3A_125 = arith.addi %iota3A_29, %add3A_124 : vector<16xi32>
      %min3A_126 = arith.constant 64 : i32
      %min3A_127 = vector.broadcast %min3A_126 : i32 to vector<16xi32>
      %min3A_128 = arith.minsi %add3A_125, %min3A_127 : vector<16xi32>
      tpu.vector_store_idx %arg7[%add3A_105, %min3A_128], %broadcast_in_dim3A_28 : memref<128x65xf32, #tpu.memory_space<vmem>>[vector<16xi32>, vector<16xi32>], vector<16xf32>,
      %add3A_129 = arith.constant 64 : i32
      %add3A_130 = vector.broadcast %add3A_129 : i32 to vector<16xi32>
      %add3A_131 = arith.addi %iota3A_29, %add3A_130 : vector<16xi32>
      %min3A_132 = arith.constant 64 : i32
      %min3A_133 = vector.broadcast %min3A_132 : i32 to vector<16xi32>
      %min3A_134 = arith.minsi %add3A_131, %min3A_133 : vector<16xi32>
      tpu.vector_store_idx %arg7[%add3A_105, %min3A_134], %broadcast_in_dim3A_28 : memref<128x65xf32, #tpu.memory_space<vmem>>[vector<16xi32>, vector<16xi32>], vector<16xf32>,
    }
    %scan3A_35 = arith.constant 128 : i32
    %iota3A_36 = tpu.iota {dimensions = array<i32: 0>} : vector<16xi32>
    %broadcast_in_dim3A_37 = arith.constant 1.200000e+01 : f32
    %broadcast_in_dim3A_38 = vector.broadcast %broadcast_in_dim3A_37 : f32 to vector<16xf32>
    %broadcast_in_dim3A_39 = arith.constant -1.200000e+01 : f32
    %broadcast_in_dim3A_40 = vector.broadcast %broadcast_in_dim3A_39 : f32 to vector<16xf32>
    %add3A_41 = arith.constant 0 : i32
    %add3A_42 = arith.addi %mul3A_2, %add3A_41 : i32
    %dma_start3A = arith.constant 0 : i32
    %dma_start3A_43 = tpu.memref_slice %arg2[%add3A_42, %dma_start3A] : memref<16384x128xf32, #tpu.memory_space<hbm>> -> memref<1x128xf32, #tpu.memory_space<hbm>>
    %dma_start3A_44 = arith.constant 0 : i32
    %dma_start3A_45 = tpu.memref_slice %arg2[%add3A_42, %dma_start3A_44] : memref<16384x128xf32, #tpu.memory_space<hbm>> -> memref<1x128xf32, #tpu.memory_space<hbm>>
    tpu.enqueue_dma source(%dma_start3A_45 : memref<1x128xf32, #tpu.memory_space<hbm>>) target(%arg12 : memref<1x128xf32, #tpu.memory_space<vmem>>) target_semaphore(%arg20 : memref<!tpu.dma_semaphore, #tpu.memory_space<semaphore_mem>>)
    %add3A_46 = arith.constant 1 : i32
    %add3A_47 = arith.addi %mul3A_2, %add3A_46 : i32
    %dma_start3A_48 = arith.constant 0 : i32
    %dma_start3A_49 = tpu.memref_slice %arg2[%add3A_47, %dma_start3A_48] : memref<16384x128xf32, #tpu.memory_space<hbm>> -> memref<1x128xf32, #tpu.memory_space<hbm>>
    %dma_start3A_50 = arith.constant 0 : i32
    %dma_start3A_51 = tpu.memref_slice %arg2[%add3A_47, %dma_start3A_50] : memref<16384x128xf32, #tpu.memory_space<hbm>> -> memref<1x128xf32, #tpu.memory_space<hbm>>
    tpu.enqueue_dma source(%dma_start3A_51 : memref<1x128xf32, #tpu.memory_space<hbm>>) target(%arg13 : memref<1x128xf32, #tpu.memory_space<vmem>>) target_semaphore(%arg21 : memref<!tpu.dma_semaphore, #tpu.memory_space<semaphore_mem>>)
    %add3A_52 = arith.constant 2 : i32
    %add3A_53 = arith.addi %mul3A_2, %add3A_52 : i32
    %dma_start3A_54 = arith.constant 0 : i32
    %dma_start3A_55 = tpu.memref_slice %arg2[%add3A_53, %dma_start3A_54] : memref<16384x128xf32, #tpu.memory_space<hbm>> -> memref<1x128xf32, #tpu.memory_space<hbm>>
    %dma_start3A_56 = arith.constant 0 : i32
    %dma_start3A_57 = tpu.memref_slice %arg2[%add3A_53, %dma_start3A_56] : memref<16384x128xf32, #tpu.memory_space<hbm>> -> memref<1x128xf32, #tpu.memory_space<hbm>>
    tpu.enqueue_dma source(%dma_start3A_57 : memref<1x128xf32, #tpu.memory_space<hbm>>) target(%arg14 : memref<1x128xf32, #tpu.memory_space<vmem>>) target_semaphore(%arg22 : memref<!tpu.dma_semaphore, #tpu.memory_space<semaphore_mem>>)
    %add3A_58 = arith.constant 3 : i32
    %add3A_59 = arith.addi %mul3A_2, %add3A_58 : i32
    %dma_start3A_60 = arith.constant 0 : i32
    %dma_start3A_61 = tpu.memref_slice %arg2[%add3A_59, %dma_start3A_60] : memref<16384x128xf32, #tpu.memory_space<hbm>> -> memref<1x128xf32, #tpu.memory_space<hbm>>
    %dma_start3A_62 = arith.constant 0 : i32
    %dma_start3A_63 = tpu.memref_slice %arg2[%add3A_59, %dma_start3A_62] : memref<16384x128xf32, #tpu.memory_space<hbm>> -> memref<1x128xf32, #tpu.memory_space<hbm>>
    tpu.enqueue_dma source(%dma_start3A_63 : memref<1x128xf32, #tpu.memory_space<hbm>>) target(%arg15 : memref<1x128xf32, #tpu.memory_space<vmem>>) target_semaphore(%arg23 : memref<!tpu.dma_semaphore, #tpu.memory_space<semaphore_mem>>)
    %scan3A_64 = arith.constant 0 : i32
    %scan3A_65 = arith.constant 0 : i32
    %scan3A_66 = arith.constant 128 : i32
    %scan3A_67 = arith.addi %scan3A_65, %scan3A_66 : i32
    %scan3A_68 = arith.constant 1 : i32
    scf.for %scan3A_101 = %scan3A_65 to %scan3A_67 step %scan3A_68  : i32 {
      %mul3A_102 = arith.constant 4 : i32
      %mul3A_103 = arith.muli %mul3A_102, %scan3A_101 : i32
      %add3A_104 = arith.constant 0 : i32
      %add3A_105 = arith.addi %mul3A_103, %add3A_104 : i32
      %ge3A = arith.constant 4 : i32
      %ge3A_106 = arith.cmpi sge, %add3A_105, %ge3A : i32
      %convert_element_type3A = arith.extui %ge3A_106 : i1 to i32
      %cond3A = arith.constant 0 : i32
      %cond3A_107 = arith.cmpi ne, %convert_element_type3A, %cond3A : i32
      scf.if %cond3A_107 {
        %sub3A_1069 = arith.constant 4 : i32
        %sub3A_1070 = arith.subi %add3A_105, %sub3A_1069 : i32
        %add3A_1071 = arith.addi %mul3A_2, %sub3A_1070 : i32
        %mul3A_1072 = arith.constant 128 : i32
        %mul3A_1073 = arith.muli %add3A_1071, %mul3A_1072 : i32
        %dma_wait3A_1074 = arith.constant 0 : i32
        %dma_wait3A_1075 = tpu.memref_slice %arg3[%mul3A_1073, %dma_wait3A_1074] : memref<2097152x65xf32, #tpu.memory_space<hbm>> -> memref<128x65xf32, #tpu.memory_space<hbm>>
        %dma_wait3A_1076 = arith.constant 0 : i32
        %dma_wait3A_1077 = tpu.memref_slice %arg3[%mul3A_1073, %dma_wait3A_1076] : memref<2097152x65xf32, #tpu.memory_space<hbm>> -> memref<128x65xf32, #tpu.memory_space<hbm>>
        tpu.wait_dma2 semaphore(%arg16 : memref<!tpu.dma_semaphore, #tpu.memory_space<semaphore_mem>>) src(%arg4 : memref<128x65xf32, #tpu.memory_space<vmem>>) dst(%dma_wait3A_1077 : memref<128x65xf32, #tpu.memory_space<hbm>>)
      } else {
      }
      %add3A_108 = arith.addi %mul3A_2, %add3A_105 : i32
      %dma_wait3A_109 = arith.constant 0 : i32
      %dma_wait3A_110 = tpu.memref_slice %arg2[%add3A_108, %dma_wait3A_109] : memref<16384x128xf32, #tpu.memory_space<hbm>> -> memref<1x128xf32, #tpu.memory_space<hbm>>
      %dma_wait3A_111 = arith.constant 0 : i32
      %dma_wait3A_112 = tpu.memref_slice %arg2[%add3A_108, %dma_wait3A_111] : memref<16384x128xf32, #tpu.memory_space<hbm>> -> memref<1x128xf32, #tpu.memory_space<hbm>>
      tpu.wait_dma2 semaphore(%arg20 : memref<!tpu.dma_semaphore, #tpu.memory_space<semaphore_mem>>) src(%dma_wait3A_112 : memref<1x128xf32, #tpu.memory_space<hbm>>) dst(%arg12 : memref<1x128xf32, #tpu.memory_space<vmem>>)
      %add3A_113 = arith.constant 0 : i32
      %add3A_114 = vector.broadcast %add3A_113 : i32 to vector<16xi32>
      %add3A_115 = arith.addi %iota3A_36, %add3A_114 : vector<16xi32>
      %ge3A_116 = arith.constant 4 : i32
      %ge3A_117 = arith.cmpi sge, %add3A_105, %ge3A_116 : i32
      %convert_element_type3A_118 = arith.extui %ge3A_117 : i1 to i32
      %cond3A_119 = arith.constant 0 : i32
      %cond3A_120 = arith.cmpi ne, %convert_element_type3A_118, %cond3A_119 : i32
      scf.if %cond3A_120 {
        %get3A_1069 = arith.constant 0 : index
        %get3A_1070 = tpu.vector_load %arg8[%get3A_1069] {strides = array<i32>} : memref<128xi32, #tpu.memory_space<vmem>>, vector<16xi32>,
        tpu.vector_store_idx %arg4[%add3A_115, %get3A_1070], %broadcast_in_dim3A_40 : memref<128x65xf32, #tpu.memory_space<vmem>>[vector<16xi32>, vector<16xi32>], vector<16xf32>,
      } else {
      }
      %get3A = arith.constant 0 : i32
      %get3A_121 = arith.index_cast %get3A : i32 to index
      %get3A_122 = arith.constant 0 : index
      %get3A_123 = tpu.vector_load %arg12[%get3A_121, %get3A_122] {strides = array<i32>} : memref<1x128xf32, #tpu.memory_space<vmem>>, vector<16xf32>,
      %add3A_124 = arith.constant 0x4B400000 : f32
      %add3A_125 = vector.broadcast %add3A_124 : f32 to vector<16xf32>
      %add3A_126 = arith.addf %get3A_123, %add3A_125 : vector<16xf32>
      %sub3A = arith.constant 0x4B400000 : f32
      %sub3A_127 = vector.broadcast %sub3A : f32 to vector<16xf32>
      %sub3A_128 = arith.subf %add3A_126, %sub3A_127 : vector<16xf32>
      %max3A = arith.constant 0.000000e+00 : f32
      %max3A_129 = vector.broadcast %max3A : f32 to vector<16xf32>
      %max3A_130 = arith.maximumf %sub3A_128, %max3A_129 : vector<16xf32>
      %min3A = arith.constant 6.400000e+01 : f32
      %min3A_131 = vector.broadcast %min3A : f32 to vector<16xf32>
      %min3A_132 = arith.minimumf %max3A_130, %min3A_131 : vector<16xf32>
      %convert_element_type3A_133 = arith.fptosi %min3A_132 : vector<16xf32> to vector<16xi32>
      %swap3A = arith.constant 0 : index
      %swap3A_134 = tpu.vector_load %arg8[%swap3A] {strides = array<i32>} : memref<128xi32, #tpu.memory_space<vmem>>, vector<16xi32>,
      tpu.vector_store %arg8[%swap3A], %convert_element_type3A_133 {strides = array<i32>} : memref<128xi32, #tpu.memory_space<vmem>>, vector<16xi32>,
      tpu.vector_store_idx %arg4[%add3A_115, %convert_element_type3A_133], %broadcast_in_dim3A_38 : memref<128x65xf32, #tpu.memory_space<vmem>>[vector<16xi32>, vector<16xi32>], vector<16xf32>,
      %add3A_135 = arith.constant 16 : i32
      %add3A_136 = vector.broadcast %add3A_135 : i32 to vector<16xi32>
      %add3A_137 = arith.addi %iota3A_36, %add3A_136 : vector<16xi32>
      %ge3A_138 = arith.constant 4 : i32
      %ge3A_139 = arith.cmpi sge, %add3A_105, %ge3A_138 : i32
      %convert_element_type3A_140 = arith.extui %ge3A_139 : i1 to i32
      %cond3A_141 = arith.constant 0 : i32
      %cond3A_142 = arith.cmpi ne, %convert_element_type3A_140, %cond3A_141 : i32
      scf.if %cond3A_142 {
        %get3A_1069 = arith.constant 16 : index
        %get3A_1070 = tpu.vector_load %arg8[%get3A_1069] {strides = array<i32>} : memref<128xi32, #tpu.memory_space<vmem>>, vector<16xi32>,
        tpu.vector_store_idx %arg4[%add3A_137, %get3A_1070], %broadcast_in_dim3A_40 : memref<128x65xf32, #tpu.memory_space<vmem>>[vector<16xi32>, vector<16xi32>], vector<16xf32>,
      } else {
      }
      %get3A_143 = arith.constant 0 : i32
      %get3A_144 = arith.index_cast %get3A_143 : i32 to index
      %get3A_145 = arith.constant 16 : index
      %get3A_146 = tpu.vector_load %arg12[%get3A_144, %get3A_145] {strides = array<i32>} : memref<1x128xf32, #tpu.memory_space<vmem>>, vector<16xf32>,
      %add3A_147 = arith.constant 0x4B400000 : f32
      %add3A_148 = vector.broadcast %add3A_147 : f32 to vector<16xf32>
      %add3A_149 = arith.addf %get3A_146, %add3A_148 : vector<16xf32>
      %sub3A_150 = arith.constant 0x4B400000 : f32
      %sub3A_151 = vector.broadcast %sub3A_150 : f32 to vector<16xf32>
      %sub3A_152 = arith.subf %add3A_149, %sub3A_151 : vector<16xf32>
      %max3A_153 = arith.constant 0.000000e+00 : f32
      %max3A_154 = vector.broadcast %max3A_153 : f32 to vector<16xf32>
      %max3A_155 = arith.maximumf %sub3A_152, %max3A_154 : vector<16xf32>
      %min3A_156 = arith.constant 6.400000e+01 : f32
      %min3A_157 = vector.broadcast %min3A_156 : f32 to vector<16xf32>
      %min3A_158 = arith.minimumf %max3A_155, %min3A_157 : vector<16xf32>
      %convert_element_type3A_159 = arith.fptosi %min3A_158 : vector<16xf32> to vector<16xi32>
      %swap3A_160 = arith.constant 16 : index
      %swap3A_161 = tpu.vector_load %arg8[%swap3A_160] {strides = array<i32>} : memref<128xi32, #tpu.memory_space<vmem>>, vector<16xi32>,
      tpu.vector_store %arg8[%swap3A_160], %convert_element_type3A_159 {strides = array<i32>} : memref<128xi32, #tpu.memory_space<vmem>>, vector<16xi32>,
      tpu.vector_store_idx %arg4[%add3A_137, %convert_element_type3A_159], %broadcast_in_dim3A_38 : memref<128x65xf32, #tpu.memory_space<vmem>>[vector<16xi32>, vector<16xi32>], vector<16xf32>,
      %add3A_162 = arith.constant 32 : i32
      %add3A_163 = vector.broadcast %add3A_162 : i32 to vector<16xi32>
      %add3A_164 = arith.addi %iota3A_36, %add3A_163 : vector<16xi32>
      %ge3A_165 = arith.constant 4 : i32
      %ge3A_166 = arith.cmpi sge, %add3A_105, %ge3A_165 : i32
      %convert_element_type3A_167 = arith.extui %ge3A_166 : i1 to i32
      %cond3A_168 = arith.constant 0 : i32
      %cond3A_169 = arith.cmpi ne, %convert_element_type3A_167, %cond3A_168 : i32
      scf.if %cond3A_169 {
        %get3A_1069 = arith.constant 32 : index
        %get3A_1070 = tpu.vector_load %arg8[%get3A_1069] {strides = array<i32>} : memref<128xi32, #tpu.memory_space<vmem>>, vector<16xi32>,
        tpu.vector_store_idx %arg4[%add3A_164, %get3A_1070], %broadcast_in_dim3A_40 : memref<128x65xf32, #tpu.memory_space<vmem>>[vector<16xi32>, vector<16xi32>], vector<16xf32>,
      } else {
      }
      %get3A_170 = arith.constant 0 : i32
      %get3A_171 = arith.index_cast %get3A_170 : i32 to index
      %get3A_172 = arith.constant 32 : index
      %get3A_173 = tpu.vector_load %arg12[%get3A_171, %get3A_172] {strides = array<i32>} : memref<1x128xf32, #tpu.memory_space<vmem>>, vector<16xf32>,
      %add3A_174 = arith.constant 0x4B400000 : f32
      %add3A_175 = vector.broadcast %add3A_174 : f32 to vector<16xf32>
      %add3A_176 = arith.addf %get3A_173, %add3A_175 : vector<16xf32>
      %sub3A_177 = arith.constant 0x4B400000 : f32
      %sub3A_178 = vector.broadcast %sub3A_177 : f32 to vector<16xf32>
      %sub3A_179 = arith.subf %add3A_176, %sub3A_178 : vector<16xf32>
      %max3A_180 = arith.constant 0.000000e+00 : f32
      %max3A_181 = vector.broadcast %max3A_180 : f32 to vector<16xf32>
      %max3A_182 = arith.maximumf %sub3A_179, %max3A_181 : vector<16xf32>
      %min3A_183 = arith.constant 6.400000e+01 : f32
      %min3A_184 = vector.broadcast %min3A_183 : f32 to vector<16xf32>
      %min3A_185 = arith.minimumf %max3A_182, %min3A_184 : vector<16xf32>
      %convert_element_type3A_186 = arith.fptosi %min3A_185 : vector<16xf32> to vector<16xi32>
      %swap3A_187 = arith.constant 32 : index
      %swap3A_188 = tpu.vector_load %arg8[%swap3A_187] {strides = array<i32>} : memref<128xi32, #tpu.memory_space<vmem>>, vector<16xi32>,
      tpu.vector_store %arg8[%swap3A_187], %convert_element_type3A_186 {strides = array<i32>} : memref<128xi32, #tpu.memory_space<vmem>>, vector<16xi32>,
      tpu.vector_store_idx %arg4[%add3A_164, %convert_element_type3A_186], %broadcast_in_dim3A_38 : memref<128x65xf32, #tpu.memory_space<vmem>>[vector<16xi32>, vector<16xi32>], vector<16xf32>,
      %add3A_189 = arith.constant 48 : i32
      %add3A_190 = vector.broadcast %add3A_189 : i32 to vector<16xi32>
      %add3A_191 = arith.addi %iota3A_36, %add3A_190 : vector<16xi32>
      %ge3A_192 = arith.constant 4 : i32
      %ge3A_193 = arith.cmpi sge, %add3A_105, %ge3A_192 : i32
      %convert_element_type3A_194 = arith.extui %ge3A_193 : i1 to i32
      %cond3A_195 = arith.constant 0 : i32
      %cond3A_196 = arith.cmpi ne, %convert_element_type3A_194, %cond3A_195 : i32
      scf.if %cond3A_196 {
        %get3A_1069 = arith.constant 48 : index
        %get3A_1070 = tpu.vector_load %arg8[%get3A_1069] {strides = array<i32>} : memref<128xi32, #tpu.memory_space<vmem>>, vector<16xi32>,
        tpu.vector_store_idx %arg4[%add3A_191, %get3A_1070], %broadcast_in_dim3A_40 : memref<128x65xf32, #tpu.memory_space<vmem>>[vector<16xi32>, vector<16xi32>], vector<16xf32>,
      } else {
      }
      %get3A_197 = arith.constant 0 : i32
      %get3A_198 = arith.index_cast %get3A_197 : i32 to index
      %get3A_199 = arith.constant 48 : index
      %get3A_200 = tpu.vector_load %arg12[%get3A_198, %get3A_199] {strides = array<i32>} : memref<1x128xf32, #tpu.memory_space<vmem>>, vector<16xf32>,
      %add3A_201 = arith.constant 0x4B400000 : f32
      %add3A_202 = vector.broadcast %add3A_201 : f32 to vector<16xf32>
      %add3A_203 = arith.addf %get3A_200, %add3A_202 : vector<16xf32>
      %sub3A_204 = arith.constant 0x4B400000 : f32
      %sub3A_205 = vector.broadcast %sub3A_204 : f32 to vector<16xf32>
      %sub3A_206 = arith.subf %add3A_203, %sub3A_205 : vector<16xf32>
      %max3A_207 = arith.constant 0.000000e+00 : f32
      %max3A_208 = vector.broadcast %max3A_207 : f32 to vector<16xf32>
      %max3A_209 = arith.maximumf %sub3A_206, %max3A_208 : vector<16xf32>
      %min3A_210 = arith.constant 6.400000e+01 : f32
      %min3A_211 = vector.broadcast %min3A_210 : f32 to vector<16xf32>
      %min3A_212 = arith.minimumf %max3A_209, %min3A_211 : vector<16xf32>
      %convert_element_type3A_213 = arith.fptosi %min3A_212 : vector<16xf32> to vector<16xi32>
      %swap3A_214 = arith.constant 48 : index
      %swap3A_215 = tpu.vector_load %arg8[%swap3A_214] {strides = array<i32>} : memref<128xi32, #tpu.memory_space<vmem>>, vector<16xi32>,
      tpu.vector_store %arg8[%swap3A_214], %convert_element_type3A_213 {strides = array<i32>} : memref<128xi32, #tpu.memory_space<vmem>>, vector<16xi32>,
      tpu.vector_store_idx %arg4[%add3A_191, %convert_element_type3A_213], %broadcast_in_dim3A_38 : memref<128x65xf32, #tpu.memory_space<vmem>>[vector<16xi32>, vector<16xi32>], vector<16xf32>,
      %add3A_216 = arith.constant 64 : i32
      %add3A_217 = vector.broadcast %add3A_216 : i32 to vector<16xi32>
      %add3A_218 = arith.addi %iota3A_36, %add3A_217 : vector<16xi32>
      %ge3A_219 = arith.constant 4 : i32
      %ge3A_220 = arith.cmpi sge, %add3A_105, %ge3A_219 : i32
      %convert_element_type3A_221 = arith.extui %ge3A_220 : i1 to i32
      %cond3A_222 = arith.constant 0 : i32
      %cond3A_223 = arith.cmpi ne, %convert_element_type3A_221, %cond3A_222 : i32
      scf.if %cond3A_223 {
        %get3A_1069 = arith.constant 64 : index
        %get3A_1070 = tpu.vector_load %arg8[%get3A_1069] {strides = array<i32>} : memref<128xi32, #tpu.memory_space<vmem>>, vector<16xi32>,
        tpu.vector_store_idx %arg4[%add3A_218, %get3A_1070], %broadcast_in_dim3A_40 : memref<128x65xf32, #tpu.memory_space<vmem>>[vector<16xi32>, vector<16xi32>], vector<16xf32>,
      } else {
      }
      %get3A_224 = arith.constant 0 : i32
      %get3A_225 = arith.index_cast %get3A_224 : i32 to index
      %get3A_226 = arith.constant 64 : index
      %get3A_227 = tpu.vector_load %arg12[%get3A_225, %get3A_226] {strides = array<i32>} : memref<1x128xf32, #tpu.memory_space<vmem>>, vector<16xf32>,
      %add3A_228 = arith.constant 0x4B400000 : f32
      %add3A_229 = vector.broadcast %add3A_228 : f32 to vector<16xf32>
      %add3A_230 = arith.addf %get3A_227, %add3A_229 : vector<16xf32>
      %sub3A_231 = arith.constant 0x4B400000 : f32
      %sub3A_232 = vector.broadcast %sub3A_231 : f32 to vector<16xf32>
      %sub3A_233 = arith.subf %add3A_230, %sub3A_232 : vector<16xf32>
      %max3A_234 = arith.constant 0.000000e+00 : f32
      %max3A_235 = vector.broadcast %max3A_234 : f32 to vector<16xf32>
      %max3A_236 = arith.maximumf %sub3A_233, %max3A_235 : vector<16xf32>
      %min3A_237 = arith.constant 6.400000e+01 : f32
      %min3A_238 = vector.broadcast %min3A_237 : f32 to vector<16xf32>
      %min3A_239 = arith.minimumf %max3A_236, %min3A_238 : vector<16xf32>
      %convert_element_type3A_240 = arith.fptosi %min3A_239 : vector<16xf32> to vector<16xi32>
      %swap3A_241 = arith.constant 64 : index
      %swap3A_242 = tpu.vector_load %arg8[%swap3A_241] {strides = array<i32>} : memref<128xi32, #tpu.memory_space<vmem>>, vector<16xi32>,
      tpu.vector_store %arg8[%swap3A_241], %convert_element_type3A_240 {strides = array<i32>} : memref<128xi32, #tpu.memory_space<vmem>>, vector<16xi32>,
      tpu.vector_store_idx %arg4[%add3A_218, %convert_element_type3A_240], %broadcast_in_dim3A_38 : memref<128x65xf32, #tpu.memory_space<vmem>>[vector<16xi32>, vector<16xi32>], vector<16xf32>,
      %add3A_243 = arith.constant 80 : i32
      %add3A_244 = vector.broadcast %add3A_243 : i32 to vector<16xi32>
      %add3A_245 = arith.addi %iota3A_36, %add3A_244 : vector<16xi32>
      %ge3A_246 = arith.constant 4 : i32
      %ge3A_247 = arith.cmpi sge, %add3A_105, %ge3A_246 : i32
      %convert_element_type3A_248 = arith.extui %ge3A_247 : i1 to i32
      %cond3A_249 = arith.constant 0 : i32
      %cond3A_250 = arith.cmpi ne, %convert_element_type3A_248, %cond3A_249 : i32
      scf.if %cond3A_250 {
        %get3A_1069 = arith.constant 80 : index
        %get3A_1070 = tpu.vector_load %arg8[%get3A_1069] {strides = array<i32>} : memref<128xi32, #tpu.memory_space<vmem>>, vector<16xi32>,
        tpu.vector_store_idx %arg4[%add3A_245, %get3A_1070], %broadcast_in_dim3A_40 : memref<128x65xf32, #tpu.memory_space<vmem>>[vector<16xi32>, vector<16xi32>], vector<16xf32>,
      } else {
      }
      %get3A_251 = arith.constant 0 : i32
      %get3A_252 = arith.index_cast %get3A_251 : i32 to index
      %get3A_253 = arith.constant 80 : index
      %get3A_254 = tpu.vector_load %arg12[%get3A_252, %get3A_253] {strides = array<i32>} : memref<1x128xf32, #tpu.memory_space<vmem>>, vector<16xf32>,
      %add3A_255 = arith.constant 0x4B400000 : f32
      %add3A_256 = vector.broadcast %add3A_255 : f32 to vector<16xf32>
      %add3A_257 = arith.addf %get3A_254, %add3A_256 : vector<16xf32>
      %sub3A_258 = arith.constant 0x4B400000 : f32
      %sub3A_259 = vector.broadcast %sub3A_258 : f32 to vector<16xf32>
      %sub3A_260 = arith.subf %add3A_257, %sub3A_259 : vector<16xf32>
      %max3A_261 = arith.constant 0.000000e+00 : f32
      %max3A_262 = vector.broadcast %max3A_261 : f32 to vector<16xf32>
      %max3A_263 = arith.maximumf %sub3A_260, %max3A_262 : vector<16xf32>
      %min3A_264 = arith.constant 6.400000e+01 : f32
      %min3A_265 = vector.broadcast %min3A_264 : f32 to vector<16xf32>
      %min3A_266 = arith.minimumf %max3A_263, %min3A_265 : vector<16xf32>
      %convert_element_type3A_267 = arith.fptosi %min3A_266 : vector<16xf32> to vector<16xi32>
      %swap3A_268 = arith.constant 80 : index
      %swap3A_269 = tpu.vector_load %arg8[%swap3A_268] {strides = array<i32>} : memref<128xi32, #tpu.memory_space<vmem>>, vector<16xi32>,
      tpu.vector_store %arg8[%swap3A_268], %convert_element_type3A_267 {strides = array<i32>} : memref<128xi32, #tpu.memory_space<vmem>>, vector<16xi32>,
      tpu.vector_store_idx %arg4[%add3A_245, %convert_element_type3A_267], %broadcast_in_dim3A_38 : memref<128x65xf32, #tpu.memory_space<vmem>>[vector<16xi32>, vector<16xi32>], vector<16xf32>,
      %add3A_270 = arith.constant 96 : i32
      %add3A_271 = vector.broadcast %add3A_270 : i32 to vector<16xi32>
      %add3A_272 = arith.addi %iota3A_36, %add3A_271 : vector<16xi32>
      %ge3A_273 = arith.constant 4 : i32
      %ge3A_274 = arith.cmpi sge, %add3A_105, %ge3A_273 : i32
      %convert_element_type3A_275 = arith.extui %ge3A_274 : i1 to i32
      %cond3A_276 = arith.constant 0 : i32
      %cond3A_277 = arith.cmpi ne, %convert_element_type3A_275, %cond3A_276 : i32
      scf.if %cond3A_277 {
        %get3A_1069 = arith.constant 96 : index
        %get3A_1070 = tpu.vector_load %arg8[%get3A_1069] {strides = array<i32>} : memref<128xi32, #tpu.memory_space<vmem>>, vector<16xi32>,
        tpu.vector_store_idx %arg4[%add3A_272, %get3A_1070], %broadcast_in_dim3A_40 : memref<128x65xf32, #tpu.memory_space<vmem>>[vector<16xi32>, vector<16xi32>], vector<16xf32>,
      } else {
      }
      %get3A_278 = arith.constant 0 : i32
      %get3A_279 = arith.index_cast %get3A_278 : i32 to index
      %get3A_280 = arith.constant 96 : index
      %get3A_281 = tpu.vector_load %arg12[%get3A_279, %get3A_280] {strides = array<i32>} : memref<1x128xf32, #tpu.memory_space<vmem>>, vector<16xf32>,
      %add3A_282 = arith.constant 0x4B400000 : f32
      %add3A_283 = vector.broadcast %add3A_282 : f32 to vector<16xf32>
      %add3A_284 = arith.addf %get3A_281, %add3A_283 : vector<16xf32>
      %sub3A_285 = arith.constant 0x4B400000 : f32
      %sub3A_286 = vector.broadcast %sub3A_285 : f32 to vector<16xf32>
      %sub3A_287 = arith.subf %add3A_284, %sub3A_286 : vector<16xf32>
      %max3A_288 = arith.constant 0.000000e+00 : f32
      %max3A_289 = vector.broadcast %max3A_288 : f32 to vector<16xf32>
      %max3A_290 = arith.maximumf %sub3A_287, %max3A_289 : vector<16xf32>
      %min3A_291 = arith.constant 6.400000e+01 : f32
      %min3A_292 = vector.broadcast %min3A_291 : f32 to vector<16xf32>
      %min3A_293 = arith.minimumf %max3A_290, %min3A_292 : vector<16xf32>
      %convert_element_type3A_294 = arith.fptosi %min3A_293 : vector<16xf32> to vector<16xi32>
      %swap3A_295 = arith.constant 96 : index
      %swap3A_296 = tpu.vector_load %arg8[%swap3A_295] {strides = array<i32>} : memref<128xi32, #tpu.memory_space<vmem>>, vector<16xi32>,
      tpu.vector_store %arg8[%swap3A_295], %convert_element_type3A_294 {strides = array<i32>} : memref<128xi32, #tpu.memory_space<vmem>>, vector<16xi32>,
      tpu.vector_store_idx %arg4[%add3A_272, %convert_element_type3A_294], %broadcast_in_dim3A_38 : memref<128x65xf32, #tpu.memory_space<vmem>>[vector<16xi32>, vector<16xi32>], vector<16xf32>,
      %add3A_297 = arith.constant 112 : i32
      %add3A_298 = vector.broadcast %add3A_297 : i32 to vector<16xi32>
      %add3A_299 = arith.addi %iota3A_36, %add3A_298 : vector<16xi32>
      %ge3A_300 = arith.constant 4 : i32
      %ge3A_301 = arith.cmpi sge, %add3A_105, %ge3A_300 : i32
      %convert_element_type3A_302 = arith.extui %ge3A_301 : i1 to i32
      %cond3A_303 = arith.constant 0 : i32
      %cond3A_304 = arith.cmpi ne, %convert_element_type3A_302, %cond3A_303 : i32
      scf.if %cond3A_304 {
        %get3A_1069 = arith.constant 112 : index
        %get3A_1070 = tpu.vector_load %arg8[%get3A_1069] {strides = array<i32>} : memref<128xi32, #tpu.memory_space<vmem>>, vector<16xi32>,
        tpu.vector_store_idx %arg4[%add3A_299, %get3A_1070], %broadcast_in_dim3A_40 : memref<128x65xf32, #tpu.memory_space<vmem>>[vector<16xi32>, vector<16xi32>], vector<16xf32>,
      } else {
      }
      %get3A_305 = arith.constant 0 : i32
      %get3A_306 = arith.index_cast %get3A_305 : i32 to index
      %get3A_307 = arith.constant 112 : index
      %get3A_308 = tpu.vector_load %arg12[%get3A_306, %get3A_307] {strides = array<i32>} : memref<1x128xf32, #tpu.memory_space<vmem>>, vector<16xf32>,
      %add3A_309 = arith.constant 0x4B400000 : f32
      %add3A_310 = vector.broadcast %add3A_309 : f32 to vector<16xf32>
      %add3A_311 = arith.addf %get3A_308, %add3A_310 : vector<16xf32>
      %sub3A_312 = arith.constant 0x4B400000 : f32
      %sub3A_313 = vector.broadcast %sub3A_312 : f32 to vector<16xf32>
      %sub3A_314 = arith.subf %add3A_311, %sub3A_313 : vector<16xf32>
      %max3A_315 = arith.constant 0.000000e+00 : f32
      %max3A_316 = vector.broadcast %max3A_315 : f32 to vector<16xf32>
      %max3A_317 = arith.maximumf %sub3A_314, %max3A_316 : vector<16xf32>
      %min3A_318 = arith.constant 6.400000e+01 : f32
      %min3A_319 = vector.broadcast %min3A_318 : f32 to vector<16xf32>
      %min3A_320 = arith.minimumf %max3A_317, %min3A_319 : vector<16xf32>
      %convert_element_type3A_321 = arith.fptosi %min3A_320 : vector<16xf32> to vector<16xi32>
      %swap3A_322 = arith.constant 112 : index
      %swap3A_323 = tpu.vector_load %arg8[%swap3A_322] {strides = array<i32>} : memref<128xi32, #tpu.memory_space<vmem>>, vector<16xi32>,
      tpu.vector_store %arg8[%swap3A_322], %convert_element_type3A_321 {strides = array<i32>} : memref<128xi32, #tpu.memory_space<vmem>>, vector<16xi32>,
      tpu.vector_store_idx %arg4[%add3A_299, %convert_element_type3A_321], %broadcast_in_dim3A_38 : memref<128x65xf32, #tpu.memory_space<vmem>>[vector<16xi32>, vector<16xi32>], vector<16xf32>,
      %add3A_324 = arith.addi %mul3A_2, %add3A_105 : i32
      %mul3A_325 = arith.constant 128 : i32
      %mul3A_326 = arith.muli %add3A_324, %mul3A_325 : i32
      %dma_start3A_327 = arith.constant 0 : i32
      %dma_start3A_328 = tpu.memref_slice %arg3[%mul3A_326, %dma_start3A_327] : memref<2097152x65xf32, #tpu.memory_space<hbm>> -> memref<128x65xf32, #tpu.memory_space<hbm>>
      %dma_start3A_329 = arith.constant 0 : i32
      %dma_start3A_330 = tpu.memref_slice %arg3[%mul3A_326, %dma_start3A_329] : memref<2097152x65xf32, #tpu.memory_space<hbm>> -> memref<128x65xf32, #tpu.memory_space<hbm>>
      tpu.enqueue_dma source(%arg4 : memref<128x65xf32, #tpu.memory_space<vmem>>) target(%dma_start3A_330 : memref<128x65xf32, #tpu.memory_space<hbm>>) target_semaphore(%arg16 : memref<!tpu.dma_semaphore, #tpu.memory_space<semaphore_mem>>)
      %add3A_331 = arith.constant 4 : i32
      %add3A_332 = arith.addi %add3A_105, %add3A_331 : i32
      %lt3A = arith.constant 512 : i32
      %lt3A_333 = arith.cmpi slt, %add3A_332, %lt3A : i32
      %convert_element_type3A_334 = arith.extui %lt3A_333 : i1 to i32
      %cond3A_335 = arith.constant 0 : i32
      %cond3A_336 = arith.cmpi ne, %convert_element_type3A_334, %cond3A_335 : i32
      scf.if %cond3A_336 {
        %add3A_1069 = arith.constant 4 : i32
        %add3A_1070 = arith.addi %add3A_105, %add3A_1069 : i32
        %add3A_1071 = arith.addi %mul3A_2, %add3A_1070 : i32
        %dma_start3A_1072 = arith.constant 0 : i32
        %dma_start3A_1073 = tpu.memref_slice %arg2[%add3A_1071, %dma_start3A_1072] : memref<16384x128xf32, #tpu.memory_space<hbm>> -> memref<1x128xf32, #tpu.memory_space<hbm>>
        %dma_start3A_1074 = arith.constant 0 : i32
        %dma_start3A_1075 = tpu.memref_slice %arg2[%add3A_1071, %dma_start3A_1074] : memref<16384x128xf32, #tpu.memory_space<hbm>> -> memref<1x128xf32, #tpu.memory_space<hbm>>
        tpu.enqueue_dma source(%dma_start3A_1075 : memref<1x128xf32, #tpu.memory_space<hbm>>) target(%arg12 : memref<1x128xf32, #tpu.memory_space<vmem>>) target_semaphore(%arg20 : memref<!tpu.dma_semaphore, #tpu.memory_space<semaphore_mem>>)
      } else {
      }
      %mul3A_337 = arith.constant 4 : i32
      %mul3A_338 = arith.muli %mul3A_337, %scan3A_101 : i32
      %add3A_339 = arith.constant 1 : i32
      %add3A_340 = arith.addi %mul3A_338, %add3A_339 : i32
      %ge3A_341 = arith.constant 4 : i32
      %ge3A_342 = arith.cmpi sge, %add3A_340, %ge3A_341 : i32
      %convert_element_type3A_343 = arith.extui %ge3A_342 : i1 to i32
      %cond3A_344 = arith.constant 0 : i32
      %cond3A_345 = arith.cmpi ne, %convert_element_type3A_343, %cond3A_344 : i32
      scf.if %cond3A_345 {
        %sub3A_1069 = arith.constant 4 : i32
        %sub3A_1070 = arith.subi %add3A_340, %sub3A_1069 : i32
        %add3A_1071 = arith.addi %mul3A_2, %sub3A_1070 : i32
        %mul3A_1072 = arith.constant 128 : i32
        %mul3A_1073 = arith.muli %add3A_1071, %mul3A_1072 : i32
        %dma_wait3A_1074 = arith.constant 0 : i32
        %dma_wait3A_1075 = tpu.memref_slice %arg3[%mul3A_1073, %dma_wait3A_1074] : memref<2097152x65xf32, #tpu.memory_space<hbm>> -> memref<128x65xf32, #tpu.memory_space<hbm>>
        %dma_wait3A_1076 = arith.constant 0 : i32
        %dma_wait3A_1077 = tpu.memref_slice %arg3[%mul3A_1073, %dma_wait3A_1076] : memref<2097152x65xf32, #tpu.memory_space<hbm>> -> memref<128x65xf32, #tpu.memory_space<hbm>>
        tpu.wait_dma2 semaphore(%arg17 : memref<!tpu.dma_semaphore, #tpu.memory_space<semaphore_mem>>) src(%arg5 : memref<128x65xf32, #tpu.memory_space<vmem>>) dst(%dma_wait3A_1077 : memref<128x65xf32, #tpu.memory_space<hbm>>)
      } else {
      }
      %add3A_346 = arith.addi %mul3A_2, %add3A_340 : i32
      %dma_wait3A_347 = arith.constant 0 : i32
      %dma_wait3A_348 = tpu.memref_slice %arg2[%add3A_346, %dma_wait3A_347] : memref<16384x128xf32, #tpu.memory_space<hbm>> -> memref<1x128xf32, #tpu.memory_space<hbm>>
      %dma_wait3A_349 = arith.constant 0 : i32
      %dma_wait3A_350 = tpu.memref_slice %arg2[%add3A_346, %dma_wait3A_349] : memref<16384x128xf32, #tpu.memory_space<hbm>> -> memref<1x128xf32, #tpu.memory_space<hbm>>
      tpu.wait_dma2 semaphore(%arg21 : memref<!tpu.dma_semaphore, #tpu.memory_space<semaphore_mem>>) src(%dma_wait3A_350 : memref<1x128xf32, #tpu.memory_space<hbm>>) dst(%arg13 : memref<1x128xf32, #tpu.memory_space<vmem>>)
      %add3A_351 = arith.constant 0 : i32
      %add3A_352 = vector.broadcast %add3A_351 : i32 to vector<16xi32>
      %add3A_353 = arith.addi %iota3A_36, %add3A_352 : vector<16xi32>
      %ge3A_354 = arith.constant 4 : i32
      %ge3A_355 = arith.cmpi sge, %add3A_340, %ge3A_354 : i32
      %convert_element_type3A_356 = arith.extui %ge3A_355 : i1 to i32
      %cond3A_357 = arith.constant 0 : i32
      %cond3A_358 = arith.cmpi ne, %convert_element_type3A_356, %cond3A_357 : i32
      scf.if %cond3A_358 {
        %get3A_1069 = arith.constant 0 : index
        %get3A_1070 = tpu.vector_load %arg9[%get3A_1069] {strides = array<i32>} : memref<128xi32, #tpu.memory_space<vmem>>, vector<16xi32>,
        tpu.vector_store_idx %arg5[%add3A_353, %get3A_1070], %broadcast_in_dim3A_40 : memref<128x65xf32, #tpu.memory_space<vmem>>[vector<16xi32>, vector<16xi32>], vector<16xf32>,
      } else {
      }
      %get3A_359 = arith.constant 0 : i32
      %get3A_360 = arith.index_cast %get3A_359 : i32 to index
      %get3A_361 = arith.constant 0 : index
      %get3A_362 = tpu.vector_load %arg13[%get3A_360, %get3A_361] {strides = array<i32>} : memref<1x128xf32, #tpu.memory_space<vmem>>, vector<16xf32>,
      %add3A_363 = arith.constant 0x4B400000 : f32
      %add3A_364 = vector.broadcast %add3A_363 : f32 to vector<16xf32>
      %add3A_365 = arith.addf %get3A_362, %add3A_364 : vector<16xf32>
      %sub3A_366 = arith.constant 0x4B400000 : f32
      %sub3A_367 = vector.broadcast %sub3A_366 : f32 to vector<16xf32>
      %sub3A_368 = arith.subf %add3A_365, %sub3A_367 : vector<16xf32>
      %max3A_369 = arith.constant 0.000000e+00 : f32
      %max3A_370 = vector.broadcast %max3A_369 : f32 to vector<16xf32>
      %max3A_371 = arith.maximumf %sub3A_368, %max3A_370 : vector<16xf32>
      %min3A_372 = arith.constant 6.400000e+01 : f32
      %min3A_373 = vector.broadcast %min3A_372 : f32 to vector<16xf32>
      %min3A_374 = arith.minimumf %max3A_371, %min3A_373 : vector<16xf32>
      %convert_element_type3A_375 = arith.fptosi %min3A_374 : vector<16xf32> to vector<16xi32>
      %swap3A_376 = arith.constant 0 : index
      %swap3A_377 = tpu.vector_load %arg9[%swap3A_376] {strides = array<i32>} : memref<128xi32, #tpu.memory_space<vmem>>, vector<16xi32>,
      tpu.vector_store %arg9[%swap3A_376], %convert_element_type3A_375 {strides = array<i32>} : memref<128xi32, #tpu.memory_space<vmem>>, vector<16xi32>,
      tpu.vector_store_idx %arg5[%add3A_353, %convert_element_type3A_375], %broadcast_in_dim3A_38 : memref<128x65xf32, #tpu.memory_space<vmem>>[vector<16xi32>, vector<16xi32>], vector<16xf32>,
      %add3A_378 = arith.constant 16 : i32
      %add3A_379 = vector.broadcast %add3A_378 : i32 to vector<16xi32>
      %add3A_380 = arith.addi %iota3A_36, %add3A_379 : vector<16xi32>
      %ge3A_381 = arith.constant 4 : i32
      %ge3A_382 = arith.cmpi sge, %add3A_340, %ge3A_381 : i32
      %convert_element_type3A_383 = arith.extui %ge3A_382 : i1 to i32
      %cond3A_384 = arith.constant 0 : i32
      %cond3A_385 = arith.cmpi ne, %convert_element_type3A_383, %cond3A_384 : i32
      scf.if %cond3A_385 {
        %get3A_1069 = arith.constant 16 : index
        %get3A_1070 = tpu.vector_load %arg9[%get3A_1069] {strides = array<i32>} : memref<128xi32, #tpu.memory_space<vmem>>, vector<16xi32>,
        tpu.vector_store_idx %arg5[%add3A_380, %get3A_1070], %broadcast_in_dim3A_40 : memref<128x65xf32, #tpu.memory_space<vmem>>[vector<16xi32>, vector<16xi32>], vector<16xf32>,
      } else {
      }
      %get3A_386 = arith.constant 0 : i32
      %get3A_387 = arith.index_cast %get3A_386 : i32 to index
      %get3A_388 = arith.constant 16 : index
      %get3A_389 = tpu.vector_load %arg13[%get3A_387, %get3A_388] {strides = array<i32>} : memref<1x128xf32, #tpu.memory_space<vmem>>, vector<16xf32>,
      %add3A_390 = arith.constant 0x4B400000 : f32
      %add3A_391 = vector.broadcast %add3A_390 : f32 to vector<16xf32>
      %add3A_392 = arith.addf %get3A_389, %add3A_391 : vector<16xf32>
      %sub3A_393 = arith.constant 0x4B400000 : f32
      %sub3A_394 = vector.broadcast %sub3A_393 : f32 to vector<16xf32>
      %sub3A_395 = arith.subf %add3A_392, %sub3A_394 : vector<16xf32>
      %max3A_396 = arith.constant 0.000000e+00 : f32
      %max3A_397 = vector.broadcast %max3A_396 : f32 to vector<16xf32>
      %max3A_398 = arith.maximumf %sub3A_395, %max3A_397 : vector<16xf32>
      %min3A_399 = arith.constant 6.400000e+01 : f32
      %min3A_400 = vector.broadcast %min3A_399 : f32 to vector<16xf32>
      %min3A_401 = arith.minimumf %max3A_398, %min3A_400 : vector<16xf32>
      %convert_element_type3A_402 = arith.fptosi %min3A_401 : vector<16xf32> to vector<16xi32>
      %swap3A_403 = arith.constant 16 : index
      %swap3A_404 = tpu.vector_load %arg9[%swap3A_403] {strides = array<i32>} : memref<128xi32, #tpu.memory_space<vmem>>, vector<16xi32>,
      tpu.vector_store %arg9[%swap3A_403], %convert_element_type3A_402 {strides = array<i32>} : memref<128xi32, #tpu.memory_space<vmem>>, vector<16xi32>,
      tpu.vector_store_idx %arg5[%add3A_380, %convert_element_type3A_402], %broadcast_in_dim3A_38 : memref<128x65xf32, #tpu.memory_space<vmem>>[vector<16xi32>, vector<16xi32>], vector<16xf32>,
      %add3A_405 = arith.constant 32 : i32
      %add3A_406 = vector.broadcast %add3A_405 : i32 to vector<16xi32>
      %add3A_407 = arith.addi %iota3A_36, %add3A_406 : vector<16xi32>
      %ge3A_408 = arith.constant 4 : i32
      %ge3A_409 = arith.cmpi sge, %add3A_340, %ge3A_408 : i32
      %convert_element_type3A_410 = arith.extui %ge3A_409 : i1 to i32
      %cond3A_411 = arith.constant 0 : i32
      %cond3A_412 = arith.cmpi ne, %convert_element_type3A_410, %cond3A_411 : i32
      scf.if %cond3A_412 {
        %get3A_1069 = arith.constant 32 : index
        %get3A_1070 = tpu.vector_load %arg9[%get3A_1069] {strides = array<i32>} : memref<128xi32, #tpu.memory_space<vmem>>, vector<16xi32>,
        tpu.vector_store_idx %arg5[%add3A_407, %get3A_1070], %broadcast_in_dim3A_40 : memref<128x65xf32, #tpu.memory_space<vmem>>[vector<16xi32>, vector<16xi32>], vector<16xf32>,
      } else {
      }
      %get3A_413 = arith.constant 0 : i32
      %get3A_414 = arith.index_cast %get3A_413 : i32 to index
      %get3A_415 = arith.constant 32 : index
      %get3A_416 = tpu.vector_load %arg13[%get3A_414, %get3A_415] {strides = array<i32>} : memref<1x128xf32, #tpu.memory_space<vmem>>, vector<16xf32>,
      %add3A_417 = arith.constant 0x4B400000 : f32
      %add3A_418 = vector.broadcast %add3A_417 : f32 to vector<16xf32>
      %add3A_419 = arith.addf %get3A_416, %add3A_418 : vector<16xf32>
      %sub3A_420 = arith.constant 0x4B400000 : f32
      %sub3A_421 = vector.broadcast %sub3A_420 : f32 to vector<16xf32>
      %sub3A_422 = arith.subf %add3A_419, %sub3A_421 : vector<16xf32>
      %max3A_423 = arith.constant 0.000000e+00 : f32
      %max3A_424 = vector.broadcast %max3A_423 : f32 to vector<16xf32>
      %max3A_425 = arith.maximumf %sub3A_422, %max3A_424 : vector<16xf32>
      %min3A_426 = arith.constant 6.400000e+01 : f32
      %min3A_427 = vector.broadcast %min3A_426 : f32 to vector<16xf32>
      %min3A_428 = arith.minimumf %max3A_425, %min3A_427 : vector<16xf32>
      %convert_element_type3A_429 = arith.fptosi %min3A_428 : vector<16xf32> to vector<16xi32>
      %swap3A_430 = arith.constant 32 : index
      %swap3A_431 = tpu.vector_load %arg9[%swap3A_430] {strides = array<i32>} : memref<128xi32, #tpu.memory_space<vmem>>, vector<16xi32>,
      tpu.vector_store %arg9[%swap3A_430], %convert_element_type3A_429 {strides = array<i32>} : memref<128xi32, #tpu.memory_space<vmem>>, vector<16xi32>,
      tpu.vector_store_idx %arg5[%add3A_407, %convert_element_type3A_429], %broadcast_in_dim3A_38 : memref<128x65xf32, #tpu.memory_space<vmem>>[vector<16xi32>, vector<16xi32>], vector<16xf32>,
      %add3A_432 = arith.constant 48 : i32
      %add3A_433 = vector.broadcast %add3A_432 : i32 to vector<16xi32>
      %add3A_434 = arith.addi %iota3A_36, %add3A_433 : vector<16xi32>
      %ge3A_435 = arith.constant 4 : i32
      %ge3A_436 = arith.cmpi sge, %add3A_340, %ge3A_435 : i32
      %convert_element_type3A_437 = arith.extui %ge3A_436 : i1 to i32
      %cond3A_438 = arith.constant 0 : i32
      %cond3A_439 = arith.cmpi ne, %convert_element_type3A_437, %cond3A_438 : i32
      scf.if %cond3A_439 {
        %get3A_1069 = arith.constant 48 : index
        %get3A_1070 = tpu.vector_load %arg9[%get3A_1069] {strides = array<i32>} : memref<128xi32, #tpu.memory_space<vmem>>, vector<16xi32>,
        tpu.vector_store_idx %arg5[%add3A_434, %get3A_1070], %broadcast_in_dim3A_40 : memref<128x65xf32, #tpu.memory_space<vmem>>[vector<16xi32>, vector<16xi32>], vector<16xf32>,
      } else {
      }
      %get3A_440 = arith.constant 0 : i32
      %get3A_441 = arith.index_cast %get3A_440 : i32 to index
      %get3A_442 = arith.constant 48 : index
      %get3A_443 = tpu.vector_load %arg13[%get3A_441, %get3A_442] {strides = array<i32>} : memref<1x128xf32, #tpu.memory_space<vmem>>, vector<16xf32>,
      %add3A_444 = arith.constant 0x4B400000 : f32
      %add3A_445 = vector.broadcast %add3A_444 : f32 to vector<16xf32>
      %add3A_446 = arith.addf %get3A_443, %add3A_445 : vector<16xf32>
      %sub3A_447 = arith.constant 0x4B400000 : f32
      %sub3A_448 = vector.broadcast %sub3A_447 : f32 to vector<16xf32>
      %sub3A_449 = arith.subf %add3A_446, %sub3A_448 : vector<16xf32>
      %max3A_450 = arith.constant 0.000000e+00 : f32
      %max3A_451 = vector.broadcast %max3A_450 : f32 to vector<16xf32>
      %max3A_452 = arith.maximumf %sub3A_449, %max3A_451 : vector<16xf32>
      %min3A_453 = arith.constant 6.400000e+01 : f32
      %min3A_454 = vector.broadcast %min3A_453 : f32 to vector<16xf32>
      %min3A_455 = arith.minimumf %max3A_452, %min3A_454 : vector<16xf32>
      %convert_element_type3A_456 = arith.fptosi %min3A_455 : vector<16xf32> to vector<16xi32>
      %swap3A_457 = arith.constant 48 : index
      %swap3A_458 = tpu.vector_load %arg9[%swap3A_457] {strides = array<i32>} : memref<128xi32, #tpu.memory_space<vmem>>, vector<16xi32>,
      tpu.vector_store %arg9[%swap3A_457], %convert_element_type3A_456 {strides = array<i32>} : memref<128xi32, #tpu.memory_space<vmem>>, vector<16xi32>,
      tpu.vector_store_idx %arg5[%add3A_434, %convert_element_type3A_456], %broadcast_in_dim3A_38 : memref<128x65xf32, #tpu.memory_space<vmem>>[vector<16xi32>, vector<16xi32>], vector<16xf32>,
      %add3A_459 = arith.constant 64 : i32
      %add3A_460 = vector.broadcast %add3A_459 : i32 to vector<16xi32>
      %add3A_461 = arith.addi %iota3A_36, %add3A_460 : vector<16xi32>
      %ge3A_462 = arith.constant 4 : i32
      %ge3A_463 = arith.cmpi sge, %add3A_340, %ge3A_462 : i32
      %convert_element_type3A_464 = arith.extui %ge3A_463 : i1 to i32
      %cond3A_465 = arith.constant 0 : i32
      %cond3A_466 = arith.cmpi ne, %convert_element_type3A_464, %cond3A_465 : i32
      scf.if %cond3A_466 {
        %get3A_1069 = arith.constant 64 : index
        %get3A_1070 = tpu.vector_load %arg9[%get3A_1069] {strides = array<i32>} : memref<128xi32, #tpu.memory_space<vmem>>, vector<16xi32>,
        tpu.vector_store_idx %arg5[%add3A_461, %get3A_1070], %broadcast_in_dim3A_40 : memref<128x65xf32, #tpu.memory_space<vmem>>[vector<16xi32>, vector<16xi32>], vector<16xf32>,
      } else {
      }
      %get3A_467 = arith.constant 0 : i32
      %get3A_468 = arith.index_cast %get3A_467 : i32 to index
      %get3A_469 = arith.constant 64 : index
      %get3A_470 = tpu.vector_load %arg13[%get3A_468, %get3A_469] {strides = array<i32>} : memref<1x128xf32, #tpu.memory_space<vmem>>, vector<16xf32>,
      %add3A_471 = arith.constant 0x4B400000 : f32
      %add3A_472 = vector.broadcast %add3A_471 : f32 to vector<16xf32>
      %add3A_473 = arith.addf %get3A_470, %add3A_472 : vector<16xf32>
      %sub3A_474 = arith.constant 0x4B400000 : f32
      %sub3A_475 = vector.broadcast %sub3A_474 : f32 to vector<16xf32>
      %sub3A_476 = arith.subf %add3A_473, %sub3A_475 : vector<16xf32>
      %max3A_477 = arith.constant 0.000000e+00 : f32
      %max3A_478 = vector.broadcast %max3A_477 : f32 to vector<16xf32>
      %max3A_479 = arith.maximumf %sub3A_476, %max3A_478 : vector<16xf32>
      %min3A_480 = arith.constant 6.400000e+01 : f32
      %min3A_481 = vector.broadcast %min3A_480 : f32 to vector<16xf32>
      %min3A_482 = arith.minimumf %max3A_479, %min3A_481 : vector<16xf32>
      %convert_element_type3A_483 = arith.fptosi %min3A_482 : vector<16xf32> to vector<16xi32>
      %swap3A_484 = arith.constant 64 : index
      %swap3A_485 = tpu.vector_load %arg9[%swap3A_484] {strides = array<i32>} : memref<128xi32, #tpu.memory_space<vmem>>, vector<16xi32>,
      tpu.vector_store %arg9[%swap3A_484], %convert_element_type3A_483 {strides = array<i32>} : memref<128xi32, #tpu.memory_space<vmem>>, vector<16xi32>,
      tpu.vector_store_idx %arg5[%add3A_461, %convert_element_type3A_483], %broadcast_in_dim3A_38 : memref<128x65xf32, #tpu.memory_space<vmem>>[vector<16xi32>, vector<16xi32>], vector<16xf32>,
      %add3A_486 = arith.constant 80 : i32
      %add3A_487 = vector.broadcast %add3A_486 : i32 to vector<16xi32>
      %add3A_488 = arith.addi %iota3A_36, %add3A_487 : vector<16xi32>
      %ge3A_489 = arith.constant 4 : i32
      %ge3A_490 = arith.cmpi sge, %add3A_340, %ge3A_489 : i32
      %convert_element_type3A_491 = arith.extui %ge3A_490 : i1 to i32
      %cond3A_492 = arith.constant 0 : i32
      %cond3A_493 = arith.cmpi ne, %convert_element_type3A_491, %cond3A_492 : i32
      scf.if %cond3A_493 {
        %get3A_1069 = arith.constant 80 : index
        %get3A_1070 = tpu.vector_load %arg9[%get3A_1069] {strides = array<i32>} : memref<128xi32, #tpu.memory_space<vmem>>, vector<16xi32>,
        tpu.vector_store_idx %arg5[%add3A_488, %get3A_1070], %broadcast_in_dim3A_40 : memref<128x65xf32, #tpu.memory_space<vmem>>[vector<16xi32>, vector<16xi32>], vector<16xf32>,
      } else {
      }
      %get3A_494 = arith.constant 0 : i32
      %get3A_495 = arith.index_cast %get3A_494 : i32 to index
      %get3A_496 = arith.constant 80 : index
      %get3A_497 = tpu.vector_load %arg13[%get3A_495, %get3A_496] {strides = array<i32>} : memref<1x128xf32, #tpu.memory_space<vmem>>, vector<16xf32>,
      %add3A_498 = arith.constant 0x4B400000 : f32
      %add3A_499 = vector.broadcast %add3A_498 : f32 to vector<16xf32>
      %add3A_500 = arith.addf %get3A_497, %add3A_499 : vector<16xf32>
      %sub3A_501 = arith.constant 0x4B400000 : f32
      %sub3A_502 = vector.broadcast %sub3A_501 : f32 to vector<16xf32>
      %sub3A_503 = arith.subf %add3A_500, %sub3A_502 : vector<16xf32>
      %max3A_504 = arith.constant 0.000000e+00 : f32
      %max3A_505 = vector.broadcast %max3A_504 : f32 to vector<16xf32>
      %max3A_506 = arith.maximumf %sub3A_503, %max3A_505 : vector<16xf32>
      %min3A_507 = arith.constant 6.400000e+01 : f32
      %min3A_508 = vector.broadcast %min3A_507 : f32 to vector<16xf32>
      %min3A_509 = arith.minimumf %max3A_506, %min3A_508 : vector<16xf32>
      %convert_element_type3A_510 = arith.fptosi %min3A_509 : vector<16xf32> to vector<16xi32>
      %swap3A_511 = arith.constant 80 : index
      %swap3A_512 = tpu.vector_load %arg9[%swap3A_511] {strides = array<i32>} : memref<128xi32, #tpu.memory_space<vmem>>, vector<16xi32>,
      tpu.vector_store %arg9[%swap3A_511], %convert_element_type3A_510 {strides = array<i32>} : memref<128xi32, #tpu.memory_space<vmem>>, vector<16xi32>,
      tpu.vector_store_idx %arg5[%add3A_488, %convert_element_type3A_510], %broadcast_in_dim3A_38 : memref<128x65xf32, #tpu.memory_space<vmem>>[vector<16xi32>, vector<16xi32>], vector<16xf32>,
      %add3A_513 = arith.constant 96 : i32
      %add3A_514 = vector.broadcast %add3A_513 : i32 to vector<16xi32>
      %add3A_515 = arith.addi %iota3A_36, %add3A_514 : vector<16xi32>
      %ge3A_516 = arith.constant 4 : i32
      %ge3A_517 = arith.cmpi sge, %add3A_340, %ge3A_516 : i32
      %convert_element_type3A_518 = arith.extui %ge3A_517 : i1 to i32
      %cond3A_519 = arith.constant 0 : i32
      %cond3A_520 = arith.cmpi ne, %convert_element_type3A_518, %cond3A_519 : i32
      scf.if %cond3A_520 {
        %get3A_1069 = arith.constant 96 : index
        %get3A_1070 = tpu.vector_load %arg9[%get3A_1069] {strides = array<i32>} : memref<128xi32, #tpu.memory_space<vmem>>, vector<16xi32>,
        tpu.vector_store_idx %arg5[%add3A_515, %get3A_1070], %broadcast_in_dim3A_40 : memref<128x65xf32, #tpu.memory_space<vmem>>[vector<16xi32>, vector<16xi32>], vector<16xf32>,
      } else {
      }
      %get3A_521 = arith.constant 0 : i32
      %get3A_522 = arith.index_cast %get3A_521 : i32 to index
      %get3A_523 = arith.constant 96 : index
      %get3A_524 = tpu.vector_load %arg13[%get3A_522, %get3A_523] {strides = array<i32>} : memref<1x128xf32, #tpu.memory_space<vmem>>, vector<16xf32>,
      %add3A_525 = arith.constant 0x4B400000 : f32
      %add3A_526 = vector.broadcast %add3A_525 : f32 to vector<16xf32>
      %add3A_527 = arith.addf %get3A_524, %add3A_526 : vector<16xf32>
      %sub3A_528 = arith.constant 0x4B400000 : f32
      %sub3A_529 = vector.broadcast %sub3A_528 : f32 to vector<16xf32>
      %sub3A_530 = arith.subf %add3A_527, %sub3A_529 : vector<16xf32>
      %max3A_531 = arith.constant 0.000000e+00 : f32
      %max3A_532 = vector.broadcast %max3A_531 : f32 to vector<16xf32>
      %max3A_533 = arith.maximumf %sub3A_530, %max3A_532 : vector<16xf32>
      %min3A_534 = arith.constant 6.400000e+01 : f32
      %min3A_535 = vector.broadcast %min3A_534 : f32 to vector<16xf32>
      %min3A_536 = arith.minimumf %max3A_533, %min3A_535 : vector<16xf32>
      %convert_element_type3A_537 = arith.fptosi %min3A_536 : vector<16xf32> to vector<16xi32>
      %swap3A_538 = arith.constant 96 : index
      %swap3A_539 = tpu.vector_load %arg9[%swap3A_538] {strides = array<i32>} : memref<128xi32, #tpu.memory_space<vmem>>, vector<16xi32>,
      tpu.vector_store %arg9[%swap3A_538], %convert_element_type3A_537 {strides = array<i32>} : memref<128xi32, #tpu.memory_space<vmem>>, vector<16xi32>,
      tpu.vector_store_idx %arg5[%add3A_515, %convert_element_type3A_537], %broadcast_in_dim3A_38 : memref<128x65xf32, #tpu.memory_space<vmem>>[vector<16xi32>, vector<16xi32>], vector<16xf32>,
      %add3A_540 = arith.constant 112 : i32
      %add3A_541 = vector.broadcast %add3A_540 : i32 to vector<16xi32>
      %add3A_542 = arith.addi %iota3A_36, %add3A_541 : vector<16xi32>
      %ge3A_543 = arith.constant 4 : i32
      %ge3A_544 = arith.cmpi sge, %add3A_340, %ge3A_543 : i32
      %convert_element_type3A_545 = arith.extui %ge3A_544 : i1 to i32
      %cond3A_546 = arith.constant 0 : i32
      %cond3A_547 = arith.cmpi ne, %convert_element_type3A_545, %cond3A_546 : i32
      scf.if %cond3A_547 {
        %get3A_1069 = arith.constant 112 : index
        %get3A_1070 = tpu.vector_load %arg9[%get3A_1069] {strides = array<i32>} : memref<128xi32, #tpu.memory_space<vmem>>, vector<16xi32>,
        tpu.vector_store_idx %arg5[%add3A_542, %get3A_1070], %broadcast_in_dim3A_40 : memref<128x65xf32, #tpu.memory_space<vmem>>[vector<16xi32>, vector<16xi32>], vector<16xf32>,
      } else {
      }
      %get3A_548 = arith.constant 0 : i32
      %get3A_549 = arith.index_cast %get3A_548 : i32 to index
      %get3A_550 = arith.constant 112 : index
      %get3A_551 = tpu.vector_load %arg13[%get3A_549, %get3A_550] {strides = array<i32>} : memref<1x128xf32, #tpu.memory_space<vmem>>, vector<16xf32>,
      %add3A_552 = arith.constant 0x4B400000 : f32
      %add3A_553 = vector.broadcast %add3A_552 : f32 to vector<16xf32>
      %add3A_554 = arith.addf %get3A_551, %add3A_553 : vector<16xf32>
      %sub3A_555 = arith.constant 0x4B400000 : f32
      %sub3A_556 = vector.broadcast %sub3A_555 : f32 to vector<16xf32>
      %sub3A_557 = arith.subf %add3A_554, %sub3A_556 : vector<16xf32>
      %max3A_558 = arith.constant 0.000000e+00 : f32
      %max3A_559 = vector.broadcast %max3A_558 : f32 to vector<16xf32>
      %max3A_560 = arith.maximumf %sub3A_557, %max3A_559 : vector<16xf32>
      %min3A_561 = arith.constant 6.400000e+01 : f32
      %min3A_562 = vector.broadcast %min3A_561 : f32 to vector<16xf32>
      %min3A_563 = arith.minimumf %max3A_560, %min3A_562 : vector<16xf32>
      %convert_element_type3A_564 = arith.fptosi %min3A_563 : vector<16xf32> to vector<16xi32>
      %swap3A_565 = arith.constant 112 : index
      %swap3A_566 = tpu.vector_load %arg9[%swap3A_565] {strides = array<i32>} : memref<128xi32, #tpu.memory_space<vmem>>, vector<16xi32>,
      tpu.vector_store %arg9[%swap3A_565], %convert_element_type3A_564 {strides = array<i32>} : memref<128xi32, #tpu.memory_space<vmem>>, vector<16xi32>,
      tpu.vector_store_idx %arg5[%add3A_542, %convert_element_type3A_564], %broadcast_in_dim3A_38 : memref<128x65xf32, #tpu.memory_space<vmem>>[vector<16xi32>, vector<16xi32>], vector<16xf32>,
      %add3A_567 = arith.addi %mul3A_2, %add3A_340 : i32
      %mul3A_568 = arith.constant 128 : i32
      %mul3A_569 = arith.muli %add3A_567, %mul3A_568 : i32
      %dma_start3A_570 = arith.constant 0 : i32
      %dma_start3A_571 = tpu.memref_slice %arg3[%mul3A_569, %dma_start3A_570] : memref<2097152x65xf32, #tpu.memory_space<hbm>> -> memref<128x65xf32, #tpu.memory_space<hbm>>
      %dma_start3A_572 = arith.constant 0 : i32
      %dma_start3A_573 = tpu.memref_slice %arg3[%mul3A_569, %dma_start3A_572] : memref<2097152x65xf32, #tpu.memory_space<hbm>> -> memref<128x65xf32, #tpu.memory_space<hbm>>
      tpu.enqueue_dma source(%arg5 : memref<128x65xf32, #tpu.memory_space<vmem>>) target(%dma_start3A_573 : memref<128x65xf32, #tpu.memory_space<hbm>>) target_semaphore(%arg17 : memref<!tpu.dma_semaphore, #tpu.memory_space<semaphore_mem>>)
      %add3A_574 = arith.constant 4 : i32
      %add3A_575 = arith.addi %add3A_340, %add3A_574 : i32
      %lt3A_576 = arith.constant 512 : i32
      %lt3A_577 = arith.cmpi slt, %add3A_575, %lt3A_576 : i32
      %convert_element_type3A_578 = arith.extui %lt3A_577 : i1 to i32
      %cond3A_579 = arith.constant 0 : i32
      %cond3A_580 = arith.cmpi ne, %convert_element_type3A_578, %cond3A_579 : i32
      scf.if %cond3A_580 {
        %add3A_1069 = arith.constant 4 : i32
        %add3A_1070 = arith.addi %add3A_340, %add3A_1069 : i32
        %add3A_1071 = arith.addi %mul3A_2, %add3A_1070 : i32
        %dma_start3A_1072 = arith.constant 0 : i32
        %dma_start3A_1073 = tpu.memref_slice %arg2[%add3A_1071, %dma_start3A_1072] : memref<16384x128xf32, #tpu.memory_space<hbm>> -> memref<1x128xf32, #tpu.memory_space<hbm>>
        %dma_start3A_1074 = arith.constant 0 : i32
        %dma_start3A_1075 = tpu.memref_slice %arg2[%add3A_1071, %dma_start3A_1074] : memref<16384x128xf32, #tpu.memory_space<hbm>> -> memref<1x128xf32, #tpu.memory_space<hbm>>
        tpu.enqueue_dma source(%dma_start3A_1075 : memref<1x128xf32, #tpu.memory_space<hbm>>) target(%arg13 : memref<1x128xf32, #tpu.memory_space<vmem>>) target_semaphore(%arg21 : memref<!tpu.dma_semaphore, #tpu.memory_space<semaphore_mem>>)
      } else {
      }
      %mul3A_581 = arith.constant 4 : i32
      %mul3A_582 = arith.muli %mul3A_581, %scan3A_101 : i32
      %add3A_583 = arith.constant 2 : i32
      %add3A_584 = arith.addi %mul3A_582, %add3A_583 : i32
      %ge3A_585 = arith.constant 4 : i32
      %ge3A_586 = arith.cmpi sge, %add3A_584, %ge3A_585 : i32
      %convert_element_type3A_587 = arith.extui %ge3A_586 : i1 to i32
      %cond3A_588 = arith.constant 0 : i32
      %cond3A_589 = arith.cmpi ne, %convert_element_type3A_587, %cond3A_588 : i32
      scf.if %cond3A_589 {
        %sub3A_1069 = arith.constant 4 : i32
        %sub3A_1070 = arith.subi %add3A_584, %sub3A_1069 : i32
        %add3A_1071 = arith.addi %mul3A_2, %sub3A_1070 : i32
        %mul3A_1072 = arith.constant 128 : i32
        %mul3A_1073 = arith.muli %add3A_1071, %mul3A_1072 : i32
        %dma_wait3A_1074 = arith.constant 0 : i32
        %dma_wait3A_1075 = tpu.memref_slice %arg3[%mul3A_1073, %dma_wait3A_1074] : memref<2097152x65xf32, #tpu.memory_space<hbm>> -> memref<128x65xf32, #tpu.memory_space<hbm>>
        %dma_wait3A_1076 = arith.constant 0 : i32
        %dma_wait3A_1077 = tpu.memref_slice %arg3[%mul3A_1073, %dma_wait3A_1076] : memref<2097152x65xf32, #tpu.memory_space<hbm>> -> memref<128x65xf32, #tpu.memory_space<hbm>>
        tpu.wait_dma2 semaphore(%arg18 : memref<!tpu.dma_semaphore, #tpu.memory_space<semaphore_mem>>) src(%arg6 : memref<128x65xf32, #tpu.memory_space<vmem>>) dst(%dma_wait3A_1077 : memref<128x65xf32, #tpu.memory_space<hbm>>)
      } else {
      }
      %add3A_590 = arith.addi %mul3A_2, %add3A_584 : i32
      %dma_wait3A_591 = arith.constant 0 : i32
      %dma_wait3A_592 = tpu.memref_slice %arg2[%add3A_590, %dma_wait3A_591] : memref<16384x128xf32, #tpu.memory_space<hbm>> -> memref<1x128xf32, #tpu.memory_space<hbm>>
      %dma_wait3A_593 = arith.constant 0 : i32
      %dma_wait3A_594 = tpu.memref_slice %arg2[%add3A_590, %dma_wait3A_593] : memref<16384x128xf32, #tpu.memory_space<hbm>> -> memref<1x128xf32, #tpu.memory_space<hbm>>
      tpu.wait_dma2 semaphore(%arg22 : memref<!tpu.dma_semaphore, #tpu.memory_space<semaphore_mem>>) src(%dma_wait3A_594 : memref<1x128xf32, #tpu.memory_space<hbm>>) dst(%arg14 : memref<1x128xf32, #tpu.memory_space<vmem>>)
      %add3A_595 = arith.constant 0 : i32
      %add3A_596 = vector.broadcast %add3A_595 : i32 to vector<16xi32>
      %add3A_597 = arith.addi %iota3A_36, %add3A_596 : vector<16xi32>
      %ge3A_598 = arith.constant 4 : i32
      %ge3A_599 = arith.cmpi sge, %add3A_584, %ge3A_598 : i32
      %convert_element_type3A_600 = arith.extui %ge3A_599 : i1 to i32
      %cond3A_601 = arith.constant 0 : i32
      %cond3A_602 = arith.cmpi ne, %convert_element_type3A_600, %cond3A_601 : i32
      scf.if %cond3A_602 {
        %get3A_1069 = arith.constant 0 : index
        %get3A_1070 = tpu.vector_load %arg10[%get3A_1069] {strides = array<i32>} : memref<128xi32, #tpu.memory_space<vmem>>, vector<16xi32>,
        tpu.vector_store_idx %arg6[%add3A_597, %get3A_1070], %broadcast_in_dim3A_40 : memref<128x65xf32, #tpu.memory_space<vmem>>[vector<16xi32>, vector<16xi32>], vector<16xf32>,
      } else {
      }
      %get3A_603 = arith.constant 0 : i32
      %get3A_604 = arith.index_cast %get3A_603 : i32 to index
      %get3A_605 = arith.constant 0 : index
      %get3A_606 = tpu.vector_load %arg14[%get3A_604, %get3A_605] {strides = array<i32>} : memref<1x128xf32, #tpu.memory_space<vmem>>, vector<16xf32>,
      %add3A_607 = arith.constant 0x4B400000 : f32
      %add3A_608 = vector.broadcast %add3A_607 : f32 to vector<16xf32>
      %add3A_609 = arith.addf %get3A_606, %add3A_608 : vector<16xf32>
      %sub3A_610 = arith.constant 0x4B400000 : f32
      %sub3A_611 = vector.broadcast %sub3A_610 : f32 to vector<16xf32>
      %sub3A_612 = arith.subf %add3A_609, %sub3A_611 : vector<16xf32>
      %max3A_613 = arith.constant 0.000000e+00 : f32
      %max3A_614 = vector.broadcast %max3A_613 : f32 to vector<16xf32>
      %max3A_615 = arith.maximumf %sub3A_612, %max3A_614 : vector<16xf32>
      %min3A_616 = arith.constant 6.400000e+01 : f32
      %min3A_617 = vector.broadcast %min3A_616 : f32 to vector<16xf32>
      %min3A_618 = arith.minimumf %max3A_615, %min3A_617 : vector<16xf32>
      %convert_element_type3A_619 = arith.fptosi %min3A_618 : vector<16xf32> to vector<16xi32>
      %swap3A_620 = arith.constant 0 : index
      %swap3A_621 = tpu.vector_load %arg10[%swap3A_620] {strides = array<i32>} : memref<128xi32, #tpu.memory_space<vmem>>, vector<16xi32>,
      tpu.vector_store %arg10[%swap3A_620], %convert_element_type3A_619 {strides = array<i32>} : memref<128xi32, #tpu.memory_space<vmem>>, vector<16xi32>,
      tpu.vector_store_idx %arg6[%add3A_597, %convert_element_type3A_619], %broadcast_in_dim3A_38 : memref<128x65xf32, #tpu.memory_space<vmem>>[vector<16xi32>, vector<16xi32>], vector<16xf32>,
      %add3A_622 = arith.constant 16 : i32
      %add3A_623 = vector.broadcast %add3A_622 : i32 to vector<16xi32>
      %add3A_624 = arith.addi %iota3A_36, %add3A_623 : vector<16xi32>
      %ge3A_625 = arith.constant 4 : i32
      %ge3A_626 = arith.cmpi sge, %add3A_584, %ge3A_625 : i32
      %convert_element_type3A_627 = arith.extui %ge3A_626 : i1 to i32
      %cond3A_628 = arith.constant 0 : i32
      %cond3A_629 = arith.cmpi ne, %convert_element_type3A_627, %cond3A_628 : i32
      scf.if %cond3A_629 {
        %get3A_1069 = arith.constant 16 : index
        %get3A_1070 = tpu.vector_load %arg10[%get3A_1069] {strides = array<i32>} : memref<128xi32, #tpu.memory_space<vmem>>, vector<16xi32>,
        tpu.vector_store_idx %arg6[%add3A_624, %get3A_1070], %broadcast_in_dim3A_40 : memref<128x65xf32, #tpu.memory_space<vmem>>[vector<16xi32>, vector<16xi32>], vector<16xf32>,
      } else {
      }
      %get3A_630 = arith.constant 0 : i32
      %get3A_631 = arith.index_cast %get3A_630 : i32 to index
      %get3A_632 = arith.constant 16 : index
      %get3A_633 = tpu.vector_load %arg14[%get3A_631, %get3A_632] {strides = array<i32>} : memref<1x128xf32, #tpu.memory_space<vmem>>, vector<16xf32>,
      %add3A_634 = arith.constant 0x4B400000 : f32
      %add3A_635 = vector.broadcast %add3A_634 : f32 to vector<16xf32>
      %add3A_636 = arith.addf %get3A_633, %add3A_635 : vector<16xf32>
      %sub3A_637 = arith.constant 0x4B400000 : f32
      %sub3A_638 = vector.broadcast %sub3A_637 : f32 to vector<16xf32>
      %sub3A_639 = arith.subf %add3A_636, %sub3A_638 : vector<16xf32>
      %max3A_640 = arith.constant 0.000000e+00 : f32
      %max3A_641 = vector.broadcast %max3A_640 : f32 to vector<16xf32>
      %max3A_642 = arith.maximumf %sub3A_639, %max3A_641 : vector<16xf32>
      %min3A_643 = arith.constant 6.400000e+01 : f32
      %min3A_644 = vector.broadcast %min3A_643 : f32 to vector<16xf32>
      %min3A_645 = arith.minimumf %max3A_642, %min3A_644 : vector<16xf32>
      %convert_element_type3A_646 = arith.fptosi %min3A_645 : vector<16xf32> to vector<16xi32>
      %swap3A_647 = arith.constant 16 : index
      %swap3A_648 = tpu.vector_load %arg10[%swap3A_647] {strides = array<i32>} : memref<128xi32, #tpu.memory_space<vmem>>, vector<16xi32>,
      tpu.vector_store %arg10[%swap3A_647], %convert_element_type3A_646 {strides = array<i32>} : memref<128xi32, #tpu.memory_space<vmem>>, vector<16xi32>,
      tpu.vector_store_idx %arg6[%add3A_624, %convert_element_type3A_646], %broadcast_in_dim3A_38 : memref<128x65xf32, #tpu.memory_space<vmem>>[vector<16xi32>, vector<16xi32>], vector<16xf32>,
      %add3A_649 = arith.constant 32 : i32
      %add3A_650 = vector.broadcast %add3A_649 : i32 to vector<16xi32>
      %add3A_651 = arith.addi %iota3A_36, %add3A_650 : vector<16xi32>
      %ge3A_652 = arith.constant 4 : i32
      %ge3A_653 = arith.cmpi sge, %add3A_584, %ge3A_652 : i32
      %convert_element_type3A_654 = arith.extui %ge3A_653 : i1 to i32
      %cond3A_655 = arith.constant 0 : i32
      %cond3A_656 = arith.cmpi ne, %convert_element_type3A_654, %cond3A_655 : i32
      scf.if %cond3A_656 {
        %get3A_1069 = arith.constant 32 : index
        %get3A_1070 = tpu.vector_load %arg10[%get3A_1069] {strides = array<i32>} : memref<128xi32, #tpu.memory_space<vmem>>, vector<16xi32>,
        tpu.vector_store_idx %arg6[%add3A_651, %get3A_1070], %broadcast_in_dim3A_40 : memref<128x65xf32, #tpu.memory_space<vmem>>[vector<16xi32>, vector<16xi32>], vector<16xf32>,
      } else {
      }
      %get3A_657 = arith.constant 0 : i32
      %get3A_658 = arith.index_cast %get3A_657 : i32 to index
      %get3A_659 = arith.constant 32 : index
      %get3A_660 = tpu.vector_load %arg14[%get3A_658, %get3A_659] {strides = array<i32>} : memref<1x128xf32, #tpu.memory_space<vmem>>, vector<16xf32>,
      %add3A_661 = arith.constant 0x4B400000 : f32
      %add3A_662 = vector.broadcast %add3A_661 : f32 to vector<16xf32>
      %add3A_663 = arith.addf %get3A_660, %add3A_662 : vector<16xf32>
      %sub3A_664 = arith.constant 0x4B400000 : f32
      %sub3A_665 = vector.broadcast %sub3A_664 : f32 to vector<16xf32>
      %sub3A_666 = arith.subf %add3A_663, %sub3A_665 : vector<16xf32>
      %max3A_667 = arith.constant 0.000000e+00 : f32
      %max3A_668 = vector.broadcast %max3A_667 : f32 to vector<16xf32>
      %max3A_669 = arith.maximumf %sub3A_666, %max3A_668 : vector<16xf32>
      %min3A_670 = arith.constant 6.400000e+01 : f32
      %min3A_671 = vector.broadcast %min3A_670 : f32 to vector<16xf32>
      %min3A_672 = arith.minimumf %max3A_669, %min3A_671 : vector<16xf32>
      %convert_element_type3A_673 = arith.fptosi %min3A_672 : vector<16xf32> to vector<16xi32>
      %swap3A_674 = arith.constant 32 : index
      %swap3A_675 = tpu.vector_load %arg10[%swap3A_674] {strides = array<i32>} : memref<128xi32, #tpu.memory_space<vmem>>, vector<16xi32>,
      tpu.vector_store %arg10[%swap3A_674], %convert_element_type3A_673 {strides = array<i32>} : memref<128xi32, #tpu.memory_space<vmem>>, vector<16xi32>,
      tpu.vector_store_idx %arg6[%add3A_651, %convert_element_type3A_673], %broadcast_in_dim3A_38 : memref<128x65xf32, #tpu.memory_space<vmem>>[vector<16xi32>, vector<16xi32>], vector<16xf32>,
      %add3A_676 = arith.constant 48 : i32
      %add3A_677 = vector.broadcast %add3A_676 : i32 to vector<16xi32>
      %add3A_678 = arith.addi %iota3A_36, %add3A_677 : vector<16xi32>
      %ge3A_679 = arith.constant 4 : i32
      %ge3A_680 = arith.cmpi sge, %add3A_584, %ge3A_679 : i32
      %convert_element_type3A_681 = arith.extui %ge3A_680 : i1 to i32
      %cond3A_682 = arith.constant 0 : i32
      %cond3A_683 = arith.cmpi ne, %convert_element_type3A_681, %cond3A_682 : i32
      scf.if %cond3A_683 {
        %get3A_1069 = arith.constant 48 : index
        %get3A_1070 = tpu.vector_load %arg10[%get3A_1069] {strides = array<i32>} : memref<128xi32, #tpu.memory_space<vmem>>, vector<16xi32>,
        tpu.vector_store_idx %arg6[%add3A_678, %get3A_1070], %broadcast_in_dim3A_40 : memref<128x65xf32, #tpu.memory_space<vmem>>[vector<16xi32>, vector<16xi32>], vector<16xf32>,
      } else {
      }
      %get3A_684 = arith.constant 0 : i32
      %get3A_685 = arith.index_cast %get3A_684 : i32 to index
      %get3A_686 = arith.constant 48 : index
      %get3A_687 = tpu.vector_load %arg14[%get3A_685, %get3A_686] {strides = array<i32>} : memref<1x128xf32, #tpu.memory_space<vmem>>, vector<16xf32>,
      %add3A_688 = arith.constant 0x4B400000 : f32
      %add3A_689 = vector.broadcast %add3A_688 : f32 to vector<16xf32>
      %add3A_690 = arith.addf %get3A_687, %add3A_689 : vector<16xf32>
      %sub3A_691 = arith.constant 0x4B400000 : f32
      %sub3A_692 = vector.broadcast %sub3A_691 : f32 to vector<16xf32>
      %sub3A_693 = arith.subf %add3A_690, %sub3A_692 : vector<16xf32>
      %max3A_694 = arith.constant 0.000000e+00 : f32
      %max3A_695 = vector.broadcast %max3A_694 : f32 to vector<16xf32>
      %max3A_696 = arith.maximumf %sub3A_693, %max3A_695 : vector<16xf32>
      %min3A_697 = arith.constant 6.400000e+01 : f32
      %min3A_698 = vector.broadcast %min3A_697 : f32 to vector<16xf32>
      %min3A_699 = arith.minimumf %max3A_696, %min3A_698 : vector<16xf32>
      %convert_element_type3A_700 = arith.fptosi %min3A_699 : vector<16xf32> to vector<16xi32>
      %swap3A_701 = arith.constant 48 : index
      %swap3A_702 = tpu.vector_load %arg10[%swap3A_701] {strides = array<i32>} : memref<128xi32, #tpu.memory_space<vmem>>, vector<16xi32>,
      tpu.vector_store %arg10[%swap3A_701], %convert_element_type3A_700 {strides = array<i32>} : memref<128xi32, #tpu.memory_space<vmem>>, vector<16xi32>,
      tpu.vector_store_idx %arg6[%add3A_678, %convert_element_type3A_700], %broadcast_in_dim3A_38 : memref<128x65xf32, #tpu.memory_space<vmem>>[vector<16xi32>, vector<16xi32>], vector<16xf32>,
      %add3A_703 = arith.constant 64 : i32
      %add3A_704 = vector.broadcast %add3A_703 : i32 to vector<16xi32>
      %add3A_705 = arith.addi %iota3A_36, %add3A_704 : vector<16xi32>
      %ge3A_706 = arith.constant 4 : i32
      %ge3A_707 = arith.cmpi sge, %add3A_584, %ge3A_706 : i32
      %convert_element_type3A_708 = arith.extui %ge3A_707 : i1 to i32
      %cond3A_709 = arith.constant 0 : i32
      %cond3A_710 = arith.cmpi ne, %convert_element_type3A_708, %cond3A_709 : i32
      scf.if %cond3A_710 {
        %get3A_1069 = arith.constant 64 : index
        %get3A_1070 = tpu.vector_load %arg10[%get3A_1069] {strides = array<i32>} : memref<128xi32, #tpu.memory_space<vmem>>, vector<16xi32>,
        tpu.vector_store_idx %arg6[%add3A_705, %get3A_1070], %broadcast_in_dim3A_40 : memref<128x65xf32, #tpu.memory_space<vmem>>[vector<16xi32>, vector<16xi32>], vector<16xf32>,
      } else {
      }
      %get3A_711 = arith.constant 0 : i32
      %get3A_712 = arith.index_cast %get3A_711 : i32 to index
      %get3A_713 = arith.constant 64 : index
      %get3A_714 = tpu.vector_load %arg14[%get3A_712, %get3A_713] {strides = array<i32>} : memref<1x128xf32, #tpu.memory_space<vmem>>, vector<16xf32>,
      %add3A_715 = arith.constant 0x4B400000 : f32
      %add3A_716 = vector.broadcast %add3A_715 : f32 to vector<16xf32>
      %add3A_717 = arith.addf %get3A_714, %add3A_716 : vector<16xf32>
      %sub3A_718 = arith.constant 0x4B400000 : f32
      %sub3A_719 = vector.broadcast %sub3A_718 : f32 to vector<16xf32>
      %sub3A_720 = arith.subf %add3A_717, %sub3A_719 : vector<16xf32>
      %max3A_721 = arith.constant 0.000000e+00 : f32
      %max3A_722 = vector.broadcast %max3A_721 : f32 to vector<16xf32>
      %max3A_723 = arith.maximumf %sub3A_720, %max3A_722 : vector<16xf32>
      %min3A_724 = arith.constant 6.400000e+01 : f32
      %min3A_725 = vector.broadcast %min3A_724 : f32 to vector<16xf32>
      %min3A_726 = arith.minimumf %max3A_723, %min3A_725 : vector<16xf32>
      %convert_element_type3A_727 = arith.fptosi %min3A_726 : vector<16xf32> to vector<16xi32>
      %swap3A_728 = arith.constant 64 : index
      %swap3A_729 = tpu.vector_load %arg10[%swap3A_728] {strides = array<i32>} : memref<128xi32, #tpu.memory_space<vmem>>, vector<16xi32>,
      tpu.vector_store %arg10[%swap3A_728], %convert_element_type3A_727 {strides = array<i32>} : memref<128xi32, #tpu.memory_space<vmem>>, vector<16xi32>,
      tpu.vector_store_idx %arg6[%add3A_705, %convert_element_type3A_727], %broadcast_in_dim3A_38 : memref<128x65xf32, #tpu.memory_space<vmem>>[vector<16xi32>, vector<16xi32>], vector<16xf32>,
      %add3A_730 = arith.constant 80 : i32
      %add3A_731 = vector.broadcast %add3A_730 : i32 to vector<16xi32>
      %add3A_732 = arith.addi %iota3A_36, %add3A_731 : vector<16xi32>
      %ge3A_733 = arith.constant 4 : i32
      %ge3A_734 = arith.cmpi sge, %add3A_584, %ge3A_733 : i32
      %convert_element_type3A_735 = arith.extui %ge3A_734 : i1 to i32
      %cond3A_736 = arith.constant 0 : i32
      %cond3A_737 = arith.cmpi ne, %convert_element_type3A_735, %cond3A_736 : i32
      scf.if %cond3A_737 {
        %get3A_1069 = arith.constant 80 : index
        %get3A_1070 = tpu.vector_load %arg10[%get3A_1069] {strides = array<i32>} : memref<128xi32, #tpu.memory_space<vmem>>, vector<16xi32>,
        tpu.vector_store_idx %arg6[%add3A_732, %get3A_1070], %broadcast_in_dim3A_40 : memref<128x65xf32, #tpu.memory_space<vmem>>[vector<16xi32>, vector<16xi32>], vector<16xf32>,
      } else {
      }
      %get3A_738 = arith.constant 0 : i32
      %get3A_739 = arith.index_cast %get3A_738 : i32 to index
      %get3A_740 = arith.constant 80 : index
      %get3A_741 = tpu.vector_load %arg14[%get3A_739, %get3A_740] {strides = array<i32>} : memref<1x128xf32, #tpu.memory_space<vmem>>, vector<16xf32>,
      %add3A_742 = arith.constant 0x4B400000 : f32
      %add3A_743 = vector.broadcast %add3A_742 : f32 to vector<16xf32>
      %add3A_744 = arith.addf %get3A_741, %add3A_743 : vector<16xf32>
      %sub3A_745 = arith.constant 0x4B400000 : f32
      %sub3A_746 = vector.broadcast %sub3A_745 : f32 to vector<16xf32>
      %sub3A_747 = arith.subf %add3A_744, %sub3A_746 : vector<16xf32>
      %max3A_748 = arith.constant 0.000000e+00 : f32
      %max3A_749 = vector.broadcast %max3A_748 : f32 to vector<16xf32>
      %max3A_750 = arith.maximumf %sub3A_747, %max3A_749 : vector<16xf32>
      %min3A_751 = arith.constant 6.400000e+01 : f32
      %min3A_752 = vector.broadcast %min3A_751 : f32 to vector<16xf32>
      %min3A_753 = arith.minimumf %max3A_750, %min3A_752 : vector<16xf32>
      %convert_element_type3A_754 = arith.fptosi %min3A_753 : vector<16xf32> to vector<16xi32>
      %swap3A_755 = arith.constant 80 : index
      %swap3A_756 = tpu.vector_load %arg10[%swap3A_755] {strides = array<i32>} : memref<128xi32, #tpu.memory_space<vmem>>, vector<16xi32>,
      tpu.vector_store %arg10[%swap3A_755], %convert_element_type3A_754 {strides = array<i32>} : memref<128xi32, #tpu.memory_space<vmem>>, vector<16xi32>,
      tpu.vector_store_idx %arg6[%add3A_732, %convert_element_type3A_754], %broadcast_in_dim3A_38 : memref<128x65xf32, #tpu.memory_space<vmem>>[vector<16xi32>, vector<16xi32>], vector<16xf32>,
      %add3A_757 = arith.constant 96 : i32
      %add3A_758 = vector.broadcast %add3A_757 : i32 to vector<16xi32>
      %add3A_759 = arith.addi %iota3A_36, %add3A_758 : vector<16xi32>
      %ge3A_760 = arith.constant 4 : i32
      %ge3A_761 = arith.cmpi sge, %add3A_584, %ge3A_760 : i32
      %convert_element_type3A_762 = arith.extui %ge3A_761 : i1 to i32
      %cond3A_763 = arith.constant 0 : i32
      %cond3A_764 = arith.cmpi ne, %convert_element_type3A_762, %cond3A_763 : i32
      scf.if %cond3A_764 {
        %get3A_1069 = arith.constant 96 : index
        %get3A_1070 = tpu.vector_load %arg10[%get3A_1069] {strides = array<i32>} : memref<128xi32, #tpu.memory_space<vmem>>, vector<16xi32>,
        tpu.vector_store_idx %arg6[%add3A_759, %get3A_1070], %broadcast_in_dim3A_40 : memref<128x65xf32, #tpu.memory_space<vmem>>[vector<16xi32>, vector<16xi32>], vector<16xf32>,
      } else {
      }
      %get3A_765 = arith.constant 0 : i32
      %get3A_766 = arith.index_cast %get3A_765 : i32 to index
      %get3A_767 = arith.constant 96 : index
      %get3A_768 = tpu.vector_load %arg14[%get3A_766, %get3A_767] {strides = array<i32>} : memref<1x128xf32, #tpu.memory_space<vmem>>, vector<16xf32>,
      %add3A_769 = arith.constant 0x4B400000 : f32
      %add3A_770 = vector.broadcast %add3A_769 : f32 to vector<16xf32>
      %add3A_771 = arith.addf %get3A_768, %add3A_770 : vector<16xf32>
      %sub3A_772 = arith.constant 0x4B400000 : f32
      %sub3A_773 = vector.broadcast %sub3A_772 : f32 to vector<16xf32>
      %sub3A_774 = arith.subf %add3A_771, %sub3A_773 : vector<16xf32>
      %max3A_775 = arith.constant 0.000000e+00 : f32
      %max3A_776 = vector.broadcast %max3A_775 : f32 to vector<16xf32>
      %max3A_777 = arith.maximumf %sub3A_774, %max3A_776 : vector<16xf32>
      %min3A_778 = arith.constant 6.400000e+01 : f32
      %min3A_779 = vector.broadcast %min3A_778 : f32 to vector<16xf32>
      %min3A_780 = arith.minimumf %max3A_777, %min3A_779 : vector<16xf32>
      %convert_element_type3A_781 = arith.fptosi %min3A_780 : vector<16xf32> to vector<16xi32>
      %swap3A_782 = arith.constant 96 : index
      %swap3A_783 = tpu.vector_load %arg10[%swap3A_782] {strides = array<i32>} : memref<128xi32, #tpu.memory_space<vmem>>, vector<16xi32>,
      tpu.vector_store %arg10[%swap3A_782], %convert_element_type3A_781 {strides = array<i32>} : memref<128xi32, #tpu.memory_space<vmem>>, vector<16xi32>,
      tpu.vector_store_idx %arg6[%add3A_759, %convert_element_type3A_781], %broadcast_in_dim3A_38 : memref<128x65xf32, #tpu.memory_space<vmem>>[vector<16xi32>, vector<16xi32>], vector<16xf32>,
      %add3A_784 = arith.constant 112 : i32
      %add3A_785 = vector.broadcast %add3A_784 : i32 to vector<16xi32>
      %add3A_786 = arith.addi %iota3A_36, %add3A_785 : vector<16xi32>
      %ge3A_787 = arith.constant 4 : i32
      %ge3A_788 = arith.cmpi sge, %add3A_584, %ge3A_787 : i32
      %convert_element_type3A_789 = arith.extui %ge3A_788 : i1 to i32
      %cond3A_790 = arith.constant 0 : i32
      %cond3A_791 = arith.cmpi ne, %convert_element_type3A_789, %cond3A_790 : i32
      scf.if %cond3A_791 {
        %get3A_1069 = arith.constant 112 : index
        %get3A_1070 = tpu.vector_load %arg10[%get3A_1069] {strides = array<i32>} : memref<128xi32, #tpu.memory_space<vmem>>, vector<16xi32>,
        tpu.vector_store_idx %arg6[%add3A_786, %get3A_1070], %broadcast_in_dim3A_40 : memref<128x65xf32, #tpu.memory_space<vmem>>[vector<16xi32>, vector<16xi32>], vector<16xf32>,
      } else {
      }
      %get3A_792 = arith.constant 0 : i32
      %get3A_793 = arith.index_cast %get3A_792 : i32 to index
      %get3A_794 = arith.constant 112 : index
      %get3A_795 = tpu.vector_load %arg14[%get3A_793, %get3A_794] {strides = array<i32>} : memref<1x128xf32, #tpu.memory_space<vmem>>, vector<16xf32>,
      %add3A_796 = arith.constant 0x4B400000 : f32
      %add3A_797 = vector.broadcast %add3A_796 : f32 to vector<16xf32>
      %add3A_798 = arith.addf %get3A_795, %add3A_797 : vector<16xf32>
      %sub3A_799 = arith.constant 0x4B400000 : f32
      %sub3A_800 = vector.broadcast %sub3A_799 : f32 to vector<16xf32>
      %sub3A_801 = arith.subf %add3A_798, %sub3A_800 : vector<16xf32>
      %max3A_802 = arith.constant 0.000000e+00 : f32
      %max3A_803 = vector.broadcast %max3A_802 : f32 to vector<16xf32>
      %max3A_804 = arith.maximumf %sub3A_801, %max3A_803 : vector<16xf32>
      %min3A_805 = arith.constant 6.400000e+01 : f32
      %min3A_806 = vector.broadcast %min3A_805 : f32 to vector<16xf32>
      %min3A_807 = arith.minimumf %max3A_804, %min3A_806 : vector<16xf32>
      %convert_element_type3A_808 = arith.fptosi %min3A_807 : vector<16xf32> to vector<16xi32>
      %swap3A_809 = arith.constant 112 : index
      %swap3A_810 = tpu.vector_load %arg10[%swap3A_809] {strides = array<i32>} : memref<128xi32, #tpu.memory_space<vmem>>, vector<16xi32>,
      tpu.vector_store %arg10[%swap3A_809], %convert_element_type3A_808 {strides = array<i32>} : memref<128xi32, #tpu.memory_space<vmem>>, vector<16xi32>,
      tpu.vector_store_idx %arg6[%add3A_786, %convert_element_type3A_808], %broadcast_in_dim3A_38 : memref<128x65xf32, #tpu.memory_space<vmem>>[vector<16xi32>, vector<16xi32>], vector<16xf32>,
      %add3A_811 = arith.addi %mul3A_2, %add3A_584 : i32
      %mul3A_812 = arith.constant 128 : i32
      %mul3A_813 = arith.muli %add3A_811, %mul3A_812 : i32
      %dma_start3A_814 = arith.constant 0 : i32
      %dma_start3A_815 = tpu.memref_slice %arg3[%mul3A_813, %dma_start3A_814] : memref<2097152x65xf32, #tpu.memory_space<hbm>> -> memref<128x65xf32, #tpu.memory_space<hbm>>
      %dma_start3A_816 = arith.constant 0 : i32
      %dma_start3A_817 = tpu.memref_slice %arg3[%mul3A_813, %dma_start3A_816] : memref<2097152x65xf32, #tpu.memory_space<hbm>> -> memref<128x65xf32, #tpu.memory_space<hbm>>
      tpu.enqueue_dma source(%arg6 : memref<128x65xf32, #tpu.memory_space<vmem>>) target(%dma_start3A_817 : memref<128x65xf32, #tpu.memory_space<hbm>>) target_semaphore(%arg18 : memref<!tpu.dma_semaphore, #tpu.memory_space<semaphore_mem>>)
      %add3A_818 = arith.constant 4 : i32
      %add3A_819 = arith.addi %add3A_584, %add3A_818 : i32
      %lt3A_820 = arith.constant 512 : i32
      %lt3A_821 = arith.cmpi slt, %add3A_819, %lt3A_820 : i32
      %convert_element_type3A_822 = arith.extui %lt3A_821 : i1 to i32
      %cond3A_823 = arith.constant 0 : i32
      %cond3A_824 = arith.cmpi ne, %convert_element_type3A_822, %cond3A_823 : i32
      scf.if %cond3A_824 {
        %add3A_1069 = arith.constant 4 : i32
        %add3A_1070 = arith.addi %add3A_584, %add3A_1069 : i32
        %add3A_1071 = arith.addi %mul3A_2, %add3A_1070 : i32
        %dma_start3A_1072 = arith.constant 0 : i32
        %dma_start3A_1073 = tpu.memref_slice %arg2[%add3A_1071, %dma_start3A_1072] : memref<16384x128xf32, #tpu.memory_space<hbm>> -> memref<1x128xf32, #tpu.memory_space<hbm>>
        %dma_start3A_1074 = arith.constant 0 : i32
        %dma_start3A_1075 = tpu.memref_slice %arg2[%add3A_1071, %dma_start3A_1074] : memref<16384x128xf32, #tpu.memory_space<hbm>> -> memref<1x128xf32, #tpu.memory_space<hbm>>
        tpu.enqueue_dma source(%dma_start3A_1075 : memref<1x128xf32, #tpu.memory_space<hbm>>) target(%arg14 : memref<1x128xf32, #tpu.memory_space<vmem>>) target_semaphore(%arg22 : memref<!tpu.dma_semaphore, #tpu.memory_space<semaphore_mem>>)
      } else {
      }
      %mul3A_825 = arith.constant 4 : i32
      %mul3A_826 = arith.muli %mul3A_825, %scan3A_101 : i32
      %add3A_827 = arith.constant 3 : i32
      %add3A_828 = arith.addi %mul3A_826, %add3A_827 : i32
      %ge3A_829 = arith.constant 4 : i32
      %ge3A_830 = arith.cmpi sge, %add3A_828, %ge3A_829 : i32
      %convert_element_type3A_831 = arith.extui %ge3A_830 : i1 to i32
      %cond3A_832 = arith.constant 0 : i32
      %cond3A_833 = arith.cmpi ne, %convert_element_type3A_831, %cond3A_832 : i32
      scf.if %cond3A_833 {
        %sub3A_1069 = arith.constant 4 : i32
        %sub3A_1070 = arith.subi %add3A_828, %sub3A_1069 : i32
        %add3A_1071 = arith.addi %mul3A_2, %sub3A_1070 : i32
        %mul3A_1072 = arith.constant 128 : i32
        %mul3A_1073 = arith.muli %add3A_1071, %mul3A_1072 : i32
        %dma_wait3A_1074 = arith.constant 0 : i32
        %dma_wait3A_1075 = tpu.memref_slice %arg3[%mul3A_1073, %dma_wait3A_1074] : memref<2097152x65xf32, #tpu.memory_space<hbm>> -> memref<128x65xf32, #tpu.memory_space<hbm>>
        %dma_wait3A_1076 = arith.constant 0 : i32
        %dma_wait3A_1077 = tpu.memref_slice %arg3[%mul3A_1073, %dma_wait3A_1076] : memref<2097152x65xf32, #tpu.memory_space<hbm>> -> memref<128x65xf32, #tpu.memory_space<hbm>>
        tpu.wait_dma2 semaphore(%arg19 : memref<!tpu.dma_semaphore, #tpu.memory_space<semaphore_mem>>) src(%arg7 : memref<128x65xf32, #tpu.memory_space<vmem>>) dst(%dma_wait3A_1077 : memref<128x65xf32, #tpu.memory_space<hbm>>)
      } else {
      }
      %add3A_834 = arith.addi %mul3A_2, %add3A_828 : i32
      %dma_wait3A_835 = arith.constant 0 : i32
      %dma_wait3A_836 = tpu.memref_slice %arg2[%add3A_834, %dma_wait3A_835] : memref<16384x128xf32, #tpu.memory_space<hbm>> -> memref<1x128xf32, #tpu.memory_space<hbm>>
      %dma_wait3A_837 = arith.constant 0 : i32
      %dma_wait3A_838 = tpu.memref_slice %arg2[%add3A_834, %dma_wait3A_837] : memref<16384x128xf32, #tpu.memory_space<hbm>> -> memref<1x128xf32, #tpu.memory_space<hbm>>
      tpu.wait_dma2 semaphore(%arg23 : memref<!tpu.dma_semaphore, #tpu.memory_space<semaphore_mem>>) src(%dma_wait3A_838 : memref<1x128xf32, #tpu.memory_space<hbm>>) dst(%arg15 : memref<1x128xf32, #tpu.memory_space<vmem>>)
      %add3A_839 = arith.constant 0 : i32
      %add3A_840 = vector.broadcast %add3A_839 : i32 to vector<16xi32>
      %add3A_841 = arith.addi %iota3A_36, %add3A_840 : vector<16xi32>
      %ge3A_842 = arith.constant 4 : i32
      %ge3A_843 = arith.cmpi sge, %add3A_828, %ge3A_842 : i32
      %convert_element_type3A_844 = arith.extui %ge3A_843 : i1 to i32
      %cond3A_845 = arith.constant 0 : i32
      %cond3A_846 = arith.cmpi ne, %convert_element_type3A_844, %cond3A_845 : i32
      scf.if %cond3A_846 {
        %get3A_1069 = arith.constant 0 : index
        %get3A_1070 = tpu.vector_load %arg11[%get3A_1069] {strides = array<i32>} : memref<128xi32, #tpu.memory_space<vmem>>, vector<16xi32>,
        tpu.vector_store_idx %arg7[%add3A_841, %get3A_1070], %broadcast_in_dim3A_40 : memref<128x65xf32, #tpu.memory_space<vmem>>[vector<16xi32>, vector<16xi32>], vector<16xf32>,
      } else {
      }
      %get3A_847 = arith.constant 0 : i32
      %get3A_848 = arith.index_cast %get3A_847 : i32 to index
      %get3A_849 = arith.constant 0 : index
      %get3A_850 = tpu.vector_load %arg15[%get3A_848, %get3A_849] {strides = array<i32>} : memref<1x128xf32, #tpu.memory_space<vmem>>, vector<16xf32>,
      %add3A_851 = arith.constant 0x4B400000 : f32
      %add3A_852 = vector.broadcast %add3A_851 : f32 to vector<16xf32>
      %add3A_853 = arith.addf %get3A_850, %add3A_852 : vector<16xf32>
      %sub3A_854 = arith.constant 0x4B400000 : f32
      %sub3A_855 = vector.broadcast %sub3A_854 : f32 to vector<16xf32>
      %sub3A_856 = arith.subf %add3A_853, %sub3A_855 : vector<16xf32>
      %max3A_857 = arith.constant 0.000000e+00 : f32
      %max3A_858 = vector.broadcast %max3A_857 : f32 to vector<16xf32>
      %max3A_859 = arith.maximumf %sub3A_856, %max3A_858 : vector<16xf32>
      %min3A_860 = arith.constant 6.400000e+01 : f32
      %min3A_861 = vector.broadcast %min3A_860 : f32 to vector<16xf32>
      %min3A_862 = arith.minimumf %max3A_859, %min3A_861 : vector<16xf32>
      %convert_element_type3A_863 = arith.fptosi %min3A_862 : vector<16xf32> to vector<16xi32>
      %swap3A_864 = arith.constant 0 : index
      %swap3A_865 = tpu.vector_load %arg11[%swap3A_864] {strides = array<i32>} : memref<128xi32, #tpu.memory_space<vmem>>, vector<16xi32>,
      tpu.vector_store %arg11[%swap3A_864], %convert_element_type3A_863 {strides = array<i32>} : memref<128xi32, #tpu.memory_space<vmem>>, vector<16xi32>,
      tpu.vector_store_idx %arg7[%add3A_841, %convert_element_type3A_863], %broadcast_in_dim3A_38 : memref<128x65xf32, #tpu.memory_space<vmem>>[vector<16xi32>, vector<16xi32>], vector<16xf32>,
      %add3A_866 = arith.constant 16 : i32
      %add3A_867 = vector.broadcast %add3A_866 : i32 to vector<16xi32>
      %add3A_868 = arith.addi %iota3A_36, %add3A_867 : vector<16xi32>
      %ge3A_869 = arith.constant 4 : i32
      %ge3A_870 = arith.cmpi sge, %add3A_828, %ge3A_869 : i32
      %convert_element_type3A_871 = arith.extui %ge3A_870 : i1 to i32
      %cond3A_872 = arith.constant 0 : i32
      %cond3A_873 = arith.cmpi ne, %convert_element_type3A_871, %cond3A_872 : i32
      scf.if %cond3A_873 {
        %get3A_1069 = arith.constant 16 : index
        %get3A_1070 = tpu.vector_load %arg11[%get3A_1069] {strides = array<i32>} : memref<128xi32, #tpu.memory_space<vmem>>, vector<16xi32>,
        tpu.vector_store_idx %arg7[%add3A_868, %get3A_1070], %broadcast_in_dim3A_40 : memref<128x65xf32, #tpu.memory_space<vmem>>[vector<16xi32>, vector<16xi32>], vector<16xf32>,
      } else {
      }
      %get3A_874 = arith.constant 0 : i32
      %get3A_875 = arith.index_cast %get3A_874 : i32 to index
      %get3A_876 = arith.constant 16 : index
      %get3A_877 = tpu.vector_load %arg15[%get3A_875, %get3A_876] {strides = array<i32>} : memref<1x128xf32, #tpu.memory_space<vmem>>, vector<16xf32>,
      %add3A_878 = arith.constant 0x4B400000 : f32
      %add3A_879 = vector.broadcast %add3A_878 : f32 to vector<16xf32>
      %add3A_880 = arith.addf %get3A_877, %add3A_879 : vector<16xf32>
      %sub3A_881 = arith.constant 0x4B400000 : f32
      %sub3A_882 = vector.broadcast %sub3A_881 : f32 to vector<16xf32>
      %sub3A_883 = arith.subf %add3A_880, %sub3A_882 : vector<16xf32>
      %max3A_884 = arith.constant 0.000000e+00 : f32
      %max3A_885 = vector.broadcast %max3A_884 : f32 to vector<16xf32>
      %max3A_886 = arith.maximumf %sub3A_883, %max3A_885 : vector<16xf32>
      %min3A_887 = arith.constant 6.400000e+01 : f32
      %min3A_888 = vector.broadcast %min3A_887 : f32 to vector<16xf32>
      %min3A_889 = arith.minimumf %max3A_886, %min3A_888 : vector<16xf32>
      %convert_element_type3A_890 = arith.fptosi %min3A_889 : vector<16xf32> to vector<16xi32>
      %swap3A_891 = arith.constant 16 : index
      %swap3A_892 = tpu.vector_load %arg11[%swap3A_891] {strides = array<i32>} : memref<128xi32, #tpu.memory_space<vmem>>, vector<16xi32>,
      tpu.vector_store %arg11[%swap3A_891], %convert_element_type3A_890 {strides = array<i32>} : memref<128xi32, #tpu.memory_space<vmem>>, vector<16xi32>,
      tpu.vector_store_idx %arg7[%add3A_868, %convert_element_type3A_890], %broadcast_in_dim3A_38 : memref<128x65xf32, #tpu.memory_space<vmem>>[vector<16xi32>, vector<16xi32>], vector<16xf32>,
      %add3A_893 = arith.constant 32 : i32
      %add3A_894 = vector.broadcast %add3A_893 : i32 to vector<16xi32>
      %add3A_895 = arith.addi %iota3A_36, %add3A_894 : vector<16xi32>
      %ge3A_896 = arith.constant 4 : i32
      %ge3A_897 = arith.cmpi sge, %add3A_828, %ge3A_896 : i32
      %convert_element_type3A_898 = arith.extui %ge3A_897 : i1 to i32
      %cond3A_899 = arith.constant 0 : i32
      %cond3A_900 = arith.cmpi ne, %convert_element_type3A_898, %cond3A_899 : i32
      scf.if %cond3A_900 {
        %get3A_1069 = arith.constant 32 : index
        %get3A_1070 = tpu.vector_load %arg11[%get3A_1069] {strides = array<i32>} : memref<128xi32, #tpu.memory_space<vmem>>, vector<16xi32>,
        tpu.vector_store_idx %arg7[%add3A_895, %get3A_1070], %broadcast_in_dim3A_40 : memref<128x65xf32, #tpu.memory_space<vmem>>[vector<16xi32>, vector<16xi32>], vector<16xf32>,
      } else {
      }
      %get3A_901 = arith.constant 0 : i32
      %get3A_902 = arith.index_cast %get3A_901 : i32 to index
      %get3A_903 = arith.constant 32 : index
      %get3A_904 = tpu.vector_load %arg15[%get3A_902, %get3A_903] {strides = array<i32>} : memref<1x128xf32, #tpu.memory_space<vmem>>, vector<16xf32>,
      %add3A_905 = arith.constant 0x4B400000 : f32
      %add3A_906 = vector.broadcast %add3A_905 : f32 to vector<16xf32>
      %add3A_907 = arith.addf %get3A_904, %add3A_906 : vector<16xf32>
      %sub3A_908 = arith.constant 0x4B400000 : f32
      %sub3A_909 = vector.broadcast %sub3A_908 : f32 to vector<16xf32>
      %sub3A_910 = arith.subf %add3A_907, %sub3A_909 : vector<16xf32>
      %max3A_911 = arith.constant 0.000000e+00 : f32
      %max3A_912 = vector.broadcast %max3A_911 : f32 to vector<16xf32>
      %max3A_913 = arith.maximumf %sub3A_910, %max3A_912 : vector<16xf32>
      %min3A_914 = arith.constant 6.400000e+01 : f32
      %min3A_915 = vector.broadcast %min3A_914 : f32 to vector<16xf32>
      %min3A_916 = arith.minimumf %max3A_913, %min3A_915 : vector<16xf32>
      %convert_element_type3A_917 = arith.fptosi %min3A_916 : vector<16xf32> to vector<16xi32>
      %swap3A_918 = arith.constant 32 : index
      %swap3A_919 = tpu.vector_load %arg11[%swap3A_918] {strides = array<i32>} : memref<128xi32, #tpu.memory_space<vmem>>, vector<16xi32>,
      tpu.vector_store %arg11[%swap3A_918], %convert_element_type3A_917 {strides = array<i32>} : memref<128xi32, #tpu.memory_space<vmem>>, vector<16xi32>,
      tpu.vector_store_idx %arg7[%add3A_895, %convert_element_type3A_917], %broadcast_in_dim3A_38 : memref<128x65xf32, #tpu.memory_space<vmem>>[vector<16xi32>, vector<16xi32>], vector<16xf32>,
      %add3A_920 = arith.constant 48 : i32
      %add3A_921 = vector.broadcast %add3A_920 : i32 to vector<16xi32>
      %add3A_922 = arith.addi %iota3A_36, %add3A_921 : vector<16xi32>
      %ge3A_923 = arith.constant 4 : i32
      %ge3A_924 = arith.cmpi sge, %add3A_828, %ge3A_923 : i32
      %convert_element_type3A_925 = arith.extui %ge3A_924 : i1 to i32
      %cond3A_926 = arith.constant 0 : i32
      %cond3A_927 = arith.cmpi ne, %convert_element_type3A_925, %cond3A_926 : i32
      scf.if %cond3A_927 {
        %get3A_1069 = arith.constant 48 : index
        %get3A_1070 = tpu.vector_load %arg11[%get3A_1069] {strides = array<i32>} : memref<128xi32, #tpu.memory_space<vmem>>, vector<16xi32>,
        tpu.vector_store_idx %arg7[%add3A_922, %get3A_1070], %broadcast_in_dim3A_40 : memref<128x65xf32, #tpu.memory_space<vmem>>[vector<16xi32>, vector<16xi32>], vector<16xf32>,
      } else {
      }
      %get3A_928 = arith.constant 0 : i32
      %get3A_929 = arith.index_cast %get3A_928 : i32 to index
      %get3A_930 = arith.constant 48 : index
      %get3A_931 = tpu.vector_load %arg15[%get3A_929, %get3A_930] {strides = array<i32>} : memref<1x128xf32, #tpu.memory_space<vmem>>, vector<16xf32>,
      %add3A_932 = arith.constant 0x4B400000 : f32
      %add3A_933 = vector.broadcast %add3A_932 : f32 to vector<16xf32>
      %add3A_934 = arith.addf %get3A_931, %add3A_933 : vector<16xf32>
      %sub3A_935 = arith.constant 0x4B400000 : f32
      %sub3A_936 = vector.broadcast %sub3A_935 : f32 to vector<16xf32>
      %sub3A_937 = arith.subf %add3A_934, %sub3A_936 : vector<16xf32>
      %max3A_938 = arith.constant 0.000000e+00 : f32
      %max3A_939 = vector.broadcast %max3A_938 : f32 to vector<16xf32>
      %max3A_940 = arith.maximumf %sub3A_937, %max3A_939 : vector<16xf32>
      %min3A_941 = arith.constant 6.400000e+01 : f32
      %min3A_942 = vector.broadcast %min3A_941 : f32 to vector<16xf32>
      %min3A_943 = arith.minimumf %max3A_940, %min3A_942 : vector<16xf32>
      %convert_element_type3A_944 = arith.fptosi %min3A_943 : vector<16xf32> to vector<16xi32>
      %swap3A_945 = arith.constant 48 : index
      %swap3A_946 = tpu.vector_load %arg11[%swap3A_945] {strides = array<i32>} : memref<128xi32, #tpu.memory_space<vmem>>, vector<16xi32>,
      tpu.vector_store %arg11[%swap3A_945], %convert_element_type3A_944 {strides = array<i32>} : memref<128xi32, #tpu.memory_space<vmem>>, vector<16xi32>,
      tpu.vector_store_idx %arg7[%add3A_922, %convert_element_type3A_944], %broadcast_in_dim3A_38 : memref<128x65xf32, #tpu.memory_space<vmem>>[vector<16xi32>, vector<16xi32>], vector<16xf32>,
      %add3A_947 = arith.constant 64 : i32
      %add3A_948 = vector.broadcast %add3A_947 : i32 to vector<16xi32>
      %add3A_949 = arith.addi %iota3A_36, %add3A_948 : vector<16xi32>
      %ge3A_950 = arith.constant 4 : i32
      %ge3A_951 = arith.cmpi sge, %add3A_828, %ge3A_950 : i32
      %convert_element_type3A_952 = arith.extui %ge3A_951 : i1 to i32
      %cond3A_953 = arith.constant 0 : i32
      %cond3A_954 = arith.cmpi ne, %convert_element_type3A_952, %cond3A_953 : i32
      scf.if %cond3A_954 {
        %get3A_1069 = arith.constant 64 : index
        %get3A_1070 = tpu.vector_load %arg11[%get3A_1069] {strides = array<i32>} : memref<128xi32, #tpu.memory_space<vmem>>, vector<16xi32>,
        tpu.vector_store_idx %arg7[%add3A_949, %get3A_1070], %broadcast_in_dim3A_40 : memref<128x65xf32, #tpu.memory_space<vmem>>[vector<16xi32>, vector<16xi32>], vector<16xf32>,
      } else {
      }
      %get3A_955 = arith.constant 0 : i32
      %get3A_956 = arith.index_cast %get3A_955 : i32 to index
      %get3A_957 = arith.constant 64 : index
      %get3A_958 = tpu.vector_load %arg15[%get3A_956, %get3A_957] {strides = array<i32>} : memref<1x128xf32, #tpu.memory_space<vmem>>, vector<16xf32>,
      %add3A_959 = arith.constant 0x4B400000 : f32
      %add3A_960 = vector.broadcast %add3A_959 : f32 to vector<16xf32>
      %add3A_961 = arith.addf %get3A_958, %add3A_960 : vector<16xf32>
      %sub3A_962 = arith.constant 0x4B400000 : f32
      %sub3A_963 = vector.broadcast %sub3A_962 : f32 to vector<16xf32>
      %sub3A_964 = arith.subf %add3A_961, %sub3A_963 : vector<16xf32>
      %max3A_965 = arith.constant 0.000000e+00 : f32
      %max3A_966 = vector.broadcast %max3A_965 : f32 to vector<16xf32>
      %max3A_967 = arith.maximumf %sub3A_964, %max3A_966 : vector<16xf32>
      %min3A_968 = arith.constant 6.400000e+01 : f32
      %min3A_969 = vector.broadcast %min3A_968 : f32 to vector<16xf32>
      %min3A_970 = arith.minimumf %max3A_967, %min3A_969 : vector<16xf32>
      %convert_element_type3A_971 = arith.fptosi %min3A_970 : vector<16xf32> to vector<16xi32>
      %swap3A_972 = arith.constant 64 : index
      %swap3A_973 = tpu.vector_load %arg11[%swap3A_972] {strides = array<i32>} : memref<128xi32, #tpu.memory_space<vmem>>, vector<16xi32>,
      tpu.vector_store %arg11[%swap3A_972], %convert_element_type3A_971 {strides = array<i32>} : memref<128xi32, #tpu.memory_space<vmem>>, vector<16xi32>,
      tpu.vector_store_idx %arg7[%add3A_949, %convert_element_type3A_971], %broadcast_in_dim3A_38 : memref<128x65xf32, #tpu.memory_space<vmem>>[vector<16xi32>, vector<16xi32>], vector<16xf32>,
      %add3A_974 = arith.constant 80 : i32
      %add3A_975 = vector.broadcast %add3A_974 : i32 to vector<16xi32>
      %add3A_976 = arith.addi %iota3A_36, %add3A_975 : vector<16xi32>
      %ge3A_977 = arith.constant 4 : i32
      %ge3A_978 = arith.cmpi sge, %add3A_828, %ge3A_977 : i32
      %convert_element_type3A_979 = arith.extui %ge3A_978 : i1 to i32
      %cond3A_980 = arith.constant 0 : i32
      %cond3A_981 = arith.cmpi ne, %convert_element_type3A_979, %cond3A_980 : i32
      scf.if %cond3A_981 {
        %get3A_1069 = arith.constant 80 : index
        %get3A_1070 = tpu.vector_load %arg11[%get3A_1069] {strides = array<i32>} : memref<128xi32, #tpu.memory_space<vmem>>, vector<16xi32>,
        tpu.vector_store_idx %arg7[%add3A_976, %get3A_1070], %broadcast_in_dim3A_40 : memref<128x65xf32, #tpu.memory_space<vmem>>[vector<16xi32>, vector<16xi32>], vector<16xf32>,
      } else {
      }
      %get3A_982 = arith.constant 0 : i32
      %get3A_983 = arith.index_cast %get3A_982 : i32 to index
      %get3A_984 = arith.constant 80 : index
      %get3A_985 = tpu.vector_load %arg15[%get3A_983, %get3A_984] {strides = array<i32>} : memref<1x128xf32, #tpu.memory_space<vmem>>, vector<16xf32>,
      %add3A_986 = arith.constant 0x4B400000 : f32
      %add3A_987 = vector.broadcast %add3A_986 : f32 to vector<16xf32>
      %add3A_988 = arith.addf %get3A_985, %add3A_987 : vector<16xf32>
      %sub3A_989 = arith.constant 0x4B400000 : f32
      %sub3A_990 = vector.broadcast %sub3A_989 : f32 to vector<16xf32>
      %sub3A_991 = arith.subf %add3A_988, %sub3A_990 : vector<16xf32>
      %max3A_992 = arith.constant 0.000000e+00 : f32
      %max3A_993 = vector.broadcast %max3A_992 : f32 to vector<16xf32>
      %max3A_994 = arith.maximumf %sub3A_991, %max3A_993 : vector<16xf32>
      %min3A_995 = arith.constant 6.400000e+01 : f32
      %min3A_996 = vector.broadcast %min3A_995 : f32 to vector<16xf32>
      %min3A_997 = arith.minimumf %max3A_994, %min3A_996 : vector<16xf32>
      %convert_element_type3A_998 = arith.fptosi %min3A_997 : vector<16xf32> to vector<16xi32>
      %swap3A_999 = arith.constant 80 : index
      %swap3A_1000 = tpu.vector_load %arg11[%swap3A_999] {strides = array<i32>} : memref<128xi32, #tpu.memory_space<vmem>>, vector<16xi32>,
      tpu.vector_store %arg11[%swap3A_999], %convert_element_type3A_998 {strides = array<i32>} : memref<128xi32, #tpu.memory_space<vmem>>, vector<16xi32>,
      tpu.vector_store_idx %arg7[%add3A_976, %convert_element_type3A_998], %broadcast_in_dim3A_38 : memref<128x65xf32, #tpu.memory_space<vmem>>[vector<16xi32>, vector<16xi32>], vector<16xf32>,
      %add3A_1001 = arith.constant 96 : i32
      %add3A_1002 = vector.broadcast %add3A_1001 : i32 to vector<16xi32>
      %add3A_1003 = arith.addi %iota3A_36, %add3A_1002 : vector<16xi32>
      %ge3A_1004 = arith.constant 4 : i32
      %ge3A_1005 = arith.cmpi sge, %add3A_828, %ge3A_1004 : i32
      %convert_element_type3A_1006 = arith.extui %ge3A_1005 : i1 to i32
      %cond3A_1007 = arith.constant 0 : i32
      %cond3A_1008 = arith.cmpi ne, %convert_element_type3A_1006, %cond3A_1007 : i32
      scf.if %cond3A_1008 {
        %get3A_1069 = arith.constant 96 : index
        %get3A_1070 = tpu.vector_load %arg11[%get3A_1069] {strides = array<i32>} : memref<128xi32, #tpu.memory_space<vmem>>, vector<16xi32>,
        tpu.vector_store_idx %arg7[%add3A_1003, %get3A_1070], %broadcast_in_dim3A_40 : memref<128x65xf32, #tpu.memory_space<vmem>>[vector<16xi32>, vector<16xi32>], vector<16xf32>,
      } else {
      }
      %get3A_1009 = arith.constant 0 : i32
      %get3A_1010 = arith.index_cast %get3A_1009 : i32 to index
      %get3A_1011 = arith.constant 96 : index
      %get3A_1012 = tpu.vector_load %arg15[%get3A_1010, %get3A_1011] {strides = array<i32>} : memref<1x128xf32, #tpu.memory_space<vmem>>, vector<16xf32>,
      %add3A_1013 = arith.constant 0x4B400000 : f32
      %add3A_1014 = vector.broadcast %add3A_1013 : f32 to vector<16xf32>
      %add3A_1015 = arith.addf %get3A_1012, %add3A_1014 : vector<16xf32>
      %sub3A_1016 = arith.constant 0x4B400000 : f32
      %sub3A_1017 = vector.broadcast %sub3A_1016 : f32 to vector<16xf32>
      %sub3A_1018 = arith.subf %add3A_1015, %sub3A_1017 : vector<16xf32>
      %max3A_1019 = arith.constant 0.000000e+00 : f32
      %max3A_1020 = vector.broadcast %max3A_1019 : f32 to vector<16xf32>
      %max3A_1021 = arith.maximumf %sub3A_1018, %max3A_1020 : vector<16xf32>
      %min3A_1022 = arith.constant 6.400000e+01 : f32
      %min3A_1023 = vector.broadcast %min3A_1022 : f32 to vector<16xf32>
      %min3A_1024 = arith.minimumf %max3A_1021, %min3A_1023 : vector<16xf32>
      %convert_element_type3A_1025 = arith.fptosi %min3A_1024 : vector<16xf32> to vector<16xi32>
      %swap3A_1026 = arith.constant 96 : index
      %swap3A_1027 = tpu.vector_load %arg11[%swap3A_1026] {strides = array<i32>} : memref<128xi32, #tpu.memory_space<vmem>>, vector<16xi32>,
      tpu.vector_store %arg11[%swap3A_1026], %convert_element_type3A_1025 {strides = array<i32>} : memref<128xi32, #tpu.memory_space<vmem>>, vector<16xi32>,
      tpu.vector_store_idx %arg7[%add3A_1003, %convert_element_type3A_1025], %broadcast_in_dim3A_38 : memref<128x65xf32, #tpu.memory_space<vmem>>[vector<16xi32>, vector<16xi32>], vector<16xf32>,
      %add3A_1028 = arith.constant 112 : i32
      %add3A_1029 = vector.broadcast %add3A_1028 : i32 to vector<16xi32>
      %add3A_1030 = arith.addi %iota3A_36, %add3A_1029 : vector<16xi32>
      %ge3A_1031 = arith.constant 4 : i32
      %ge3A_1032 = arith.cmpi sge, %add3A_828, %ge3A_1031 : i32
      %convert_element_type3A_1033 = arith.extui %ge3A_1032 : i1 to i32
      %cond3A_1034 = arith.constant 0 : i32
      %cond3A_1035 = arith.cmpi ne, %convert_element_type3A_1033, %cond3A_1034 : i32
      scf.if %cond3A_1035 {
        %get3A_1069 = arith.constant 112 : index
        %get3A_1070 = tpu.vector_load %arg11[%get3A_1069] {strides = array<i32>} : memref<128xi32, #tpu.memory_space<vmem>>, vector<16xi32>,
        tpu.vector_store_idx %arg7[%add3A_1030, %get3A_1070], %broadcast_in_dim3A_40 : memref<128x65xf32, #tpu.memory_space<vmem>>[vector<16xi32>, vector<16xi32>], vector<16xf32>,
      } else {
      }
      %get3A_1036 = arith.constant 0 : i32
      %get3A_1037 = arith.index_cast %get3A_1036 : i32 to index
      %get3A_1038 = arith.constant 112 : index
      %get3A_1039 = tpu.vector_load %arg15[%get3A_1037, %get3A_1038] {strides = array<i32>} : memref<1x128xf32, #tpu.memory_space<vmem>>, vector<16xf32>,
      %add3A_1040 = arith.constant 0x4B400000 : f32
      %add3A_1041 = vector.broadcast %add3A_1040 : f32 to vector<16xf32>
      %add3A_1042 = arith.addf %get3A_1039, %add3A_1041 : vector<16xf32>
      %sub3A_1043 = arith.constant 0x4B400000 : f32
      %sub3A_1044 = vector.broadcast %sub3A_1043 : f32 to vector<16xf32>
      %sub3A_1045 = arith.subf %add3A_1042, %sub3A_1044 : vector<16xf32>
      %max3A_1046 = arith.constant 0.000000e+00 : f32
      %max3A_1047 = vector.broadcast %max3A_1046 : f32 to vector<16xf32>
      %max3A_1048 = arith.maximumf %sub3A_1045, %max3A_1047 : vector<16xf32>
      %min3A_1049 = arith.constant 6.400000e+01 : f32
      %min3A_1050 = vector.broadcast %min3A_1049 : f32 to vector<16xf32>
      %min3A_1051 = arith.minimumf %max3A_1048, %min3A_1050 : vector<16xf32>
      %convert_element_type3A_1052 = arith.fptosi %min3A_1051 : vector<16xf32> to vector<16xi32>
      %swap3A_1053 = arith.constant 112 : index
      %swap3A_1054 = tpu.vector_load %arg11[%swap3A_1053] {strides = array<i32>} : memref<128xi32, #tpu.memory_space<vmem>>, vector<16xi32>,
      tpu.vector_store %arg11[%swap3A_1053], %convert_element_type3A_1052 {strides = array<i32>} : memref<128xi32, #tpu.memory_space<vmem>>, vector<16xi32>,
      tpu.vector_store_idx %arg7[%add3A_1030, %convert_element_type3A_1052], %broadcast_in_dim3A_38 : memref<128x65xf32, #tpu.memory_space<vmem>>[vector<16xi32>, vector<16xi32>], vector<16xf32>,
      %add3A_1055 = arith.addi %mul3A_2, %add3A_828 : i32
      %mul3A_1056 = arith.constant 128 : i32
      %mul3A_1057 = arith.muli %add3A_1055, %mul3A_1056 : i32
      %dma_start3A_1058 = arith.constant 0 : i32
      %dma_start3A_1059 = tpu.memref_slice %arg3[%mul3A_1057, %dma_start3A_1058] : memref<2097152x65xf32, #tpu.memory_space<hbm>> -> memref<128x65xf32, #tpu.memory_space<hbm>>
      %dma_start3A_1060 = arith.constant 0 : i32
      %dma_start3A_1061 = tpu.memref_slice %arg3[%mul3A_1057, %dma_start3A_1060] : memref<2097152x65xf32, #tpu.memory_space<hbm>> -> memref<128x65xf32, #tpu.memory_space<hbm>>
      tpu.enqueue_dma source(%arg7 : memref<128x65xf32, #tpu.memory_space<vmem>>) target(%dma_start3A_1061 : memref<128x65xf32, #tpu.memory_space<hbm>>) target_semaphore(%arg19 : memref<!tpu.dma_semaphore, #tpu.memory_space<semaphore_mem>>)
      %add3A_1062 = arith.constant 4 : i32
      %add3A_1063 = arith.addi %add3A_828, %add3A_1062 : i32
      %lt3A_1064 = arith.constant 512 : i32
      %lt3A_1065 = arith.cmpi slt, %add3A_1063, %lt3A_1064 : i32
      %convert_element_type3A_1066 = arith.extui %lt3A_1065 : i1 to i32
      %cond3A_1067 = arith.constant 0 : i32
      %cond3A_1068 = arith.cmpi ne, %convert_element_type3A_1066, %cond3A_1067 : i32
      scf.if %cond3A_1068 {
        %add3A_1069 = arith.constant 4 : i32
        %add3A_1070 = arith.addi %add3A_828, %add3A_1069 : i32
        %add3A_1071 = arith.addi %mul3A_2, %add3A_1070 : i32
        %dma_start3A_1072 = arith.constant 0 : i32
        %dma_start3A_1073 = tpu.memref_slice %arg2[%add3A_1071, %dma_start3A_1072] : memref<16384x128xf32, #tpu.memory_space<hbm>> -> memref<1x128xf32, #tpu.memory_space<hbm>>
        %dma_start3A_1074 = arith.constant 0 : i32
        %dma_start3A_1075 = tpu.memref_slice %arg2[%add3A_1071, %dma_start3A_1074] : memref<16384x128xf32, #tpu.memory_space<hbm>> -> memref<1x128xf32, #tpu.memory_space<hbm>>
        tpu.enqueue_dma source(%dma_start3A_1075 : memref<1x128xf32, #tpu.memory_space<hbm>>) target(%arg15 : memref<1x128xf32, #tpu.memory_space<vmem>>) target_semaphore(%arg23 : memref<!tpu.dma_semaphore, #tpu.memory_space<semaphore_mem>>)
      } else {
      }
    }
    %scan3A_69 = arith.constant 128 : i32
    %add3A_70 = arith.constant 508 : i32
    %add3A_71 = arith.addi %mul3A_2, %add3A_70 : i32
    %mul3A_72 = arith.constant 128 : i32
    %mul3A_73 = arith.muli %add3A_71, %mul3A_72 : i32
    %dma_wait3A = arith.constant 0 : i32
    %dma_wait3A_74 = tpu.memref_slice %arg3[%mul3A_73, %dma_wait3A] : memref<2097152x65xf32, #tpu.memory_space<hbm>> -> memref<128x65xf32, #tpu.memory_space<hbm>>
    %dma_wait3A_75 = arith.constant 0 : i32
    %dma_wait3A_76 = tpu.memref_slice %arg3[%mul3A_73, %dma_wait3A_75] : memref<2097152x65xf32, #tpu.memory_space<hbm>> -> memref<128x65xf32, #tpu.memory_space<hbm>>
    tpu.wait_dma2 semaphore(%arg16 : memref<!tpu.dma_semaphore, #tpu.memory_space<semaphore_mem>>) src(%arg4 : memref<128x65xf32, #tpu.memory_space<vmem>>) dst(%dma_wait3A_76 : memref<128x65xf32, #tpu.memory_space<hbm>>)
    %add3A_77 = arith.constant 509 : i32
    %add3A_78 = arith.addi %mul3A_2, %add3A_77 : i32
    %mul3A_79 = arith.constant 128 : i32
    %mul3A_80 = arith.muli %add3A_78, %mul3A_79 : i32
    %dma_wait3A_81 = arith.constant 0 : i32
    %dma_wait3A_82 = tpu.memref_slice %arg3[%mul3A_80, %dma_wait3A_81] : memref<2097152x65xf32, #tpu.memory_space<hbm>> -> memref<128x65xf32, #tpu.memory_space<hbm>>
    %dma_wait3A_83 = arith.constant 0 : i32
    %dma_wait3A_84 = tpu.memref_slice %arg3[%mul3A_80, %dma_wait3A_83] : memref<2097152x65xf32, #tpu.memory_space<hbm>> -> memref<128x65xf32, #tpu.memory_space<hbm>>
    tpu.wait_dma2 semaphore(%arg17 : memref<!tpu.dma_semaphore, #tpu.memory_space<semaphore_mem>>) src(%arg5 : memref<128x65xf32, #tpu.memory_space<vmem>>) dst(%dma_wait3A_84 : memref<128x65xf32, #tpu.memory_space<hbm>>)
    %add3A_85 = arith.constant 510 : i32
    %add3A_86 = arith.addi %mul3A_2, %add3A_85 : i32
    %mul3A_87 = arith.constant 128 : i32
    %mul3A_88 = arith.muli %add3A_86, %mul3A_87 : i32
    %dma_wait3A_89 = arith.constant 0 : i32
    %dma_wait3A_90 = tpu.memref_slice %arg3[%mul3A_88, %dma_wait3A_89] : memref<2097152x65xf32, #tpu.memory_space<hbm>> -> memref<128x65xf32, #tpu.memory_space<hbm>>
    %dma_wait3A_91 = arith.constant 0 : i32
    %dma_wait3A_92 = tpu.memref_slice %arg3[%mul3A_88, %dma_wait3A_91] : memref<2097152x65xf32, #tpu.memory_space<hbm>> -> memref<128x65xf32, #tpu.memory_space<hbm>>
    tpu.wait_dma2 semaphore(%arg18 : memref<!tpu.dma_semaphore, #tpu.memory_space<semaphore_mem>>) src(%arg6 : memref<128x65xf32, #tpu.memory_space<vmem>>) dst(%dma_wait3A_92 : memref<128x65xf32, #tpu.memory_space<hbm>>)
    %add3A_93 = arith.constant 511 : i32
    %add3A_94 = arith.addi %mul3A_2, %add3A_93 : i32
    %mul3A_95 = arith.constant 128 : i32
    %mul3A_96 = arith.muli %add3A_94, %mul3A_95 : i32
    %dma_wait3A_97 = arith.constant 0 : i32
    %dma_wait3A_98 = tpu.memref_slice %arg3[%mul3A_96, %dma_wait3A_97] : memref<2097152x65xf32, #tpu.memory_space<hbm>> -> memref<128x65xf32, #tpu.memory_space<hbm>>
    %dma_wait3A_99 = arith.constant 0 : i32
    %dma_wait3A_100 = tpu.memref_slice %arg3[%mul3A_96, %dma_wait3A_99] : memref<2097152x65xf32, #tpu.memory_space<hbm>> -> memref<128x65xf32, #tpu.memory_space<hbm>>
    tpu.wait_dma2 semaphore(%arg19 : memref<!tpu.dma_semaphore, #tpu.memory_space<semaphore_mem>>) src(%arg7 : memref<128x65xf32, #tpu.memory_space<vmem>>) dst(%dma_wait3A_100 : memref<128x65xf32, #tpu.memory_space<hbm>>)
    return
  }
}

</mosaic_0001>

<sc_bundles>
// kernel: kernel.3.cloned.1.call-start
scs
__scs_entry_jumppad:
0x0: {  	(pc) =	sbr.rel $0x88, $3  }
0x1: {  	(tag) =	ssettag $0x0;
	lr =	simm.s32 $0x1  }
0x2: {  	[smem:$0x3FA0] =	sst lr;
	_ =	strace $0xD0000000  }
0x3: {  	_ = 	snop  }
0x4: {  	_ = 	snop  }
0x5: {  	_ = 	snop  }
0x6: {  	_ = 	snop  }
0x7: {  	_ = 	snop  }
__scs_overlays_trampoline_lowered:
0x8: {  	[smem:$0x3FAF] =	sst s0  }
0x9: {  	[smem:$0x3FB0] =	sst s1  }
0xa: {  	[smem:$0x3FB1] =	sst s2  }
0xb: {  	[smem:$0x3FB2] =	sst s3  }
0xc: {  	[smem:$0x3FB3] =	sst s4  }
0xd: {  	[smem:$0x3FB4] =	sst s5  }
0xe: {  	[smem:$0x3FB5] =	sst s6  }
0xf: {  	[smem:$0x3FB6] =	sst s7  }
0x10: {  	[smem:$0x3FB7] =	sst s8  }
0x11: {  	[smem:$0x3FB8] =	sst s9;
	s0 =	simm.s32 @!p0 $0x0  }
0x12: {  	s1 =	sld [smem:$0x3F9E];
	s0 =	simm.s32 @p0 $0x1  }
0x13: {  	[smem:$0x3FB9] =	sst s0;
	s0 =	simm.s32 @!p1 $0x0  }
0x14: {  	s2 =	sld [smem:$0x3F9D];
	s0 =	simm.s32 @p1 $0x1  }
0x15: {  	[smem:$0x3FBA] =	sst s0;
	s0 =	simm.s32 @!p2 $0x0  }
0x16: {  	s3 =	sld [smem:$0x3FDB];
	s0 =	simm.s32 @p2 $0x1  }
0x17: {  	s4 =	simm.s32 $0x1BF5;
	[smem:$0x3FBC] =	sst s0  }
0x18: {  	s0 =	sld [smem:$0x3F9F];
	_ =	swait.ge [sflag:s4], $0x0  }
0x19: {  	s7 =	sld [smem:$0x3FA0]  }
0x1a: {  	s8 =	sadd.s32 $0xFFFFE003, lr  }
0x1b: {  	s9 =	sadd.s32 $0xFFFFFEF7, lr;
	s5 =	simm.s32 $0xFFFFFFFF;
	p2 =	slt.u32 s8, $0xFFFFF086  }
0x1c: {  	p1 =	slt.u32 s9, $0xF7A;
	s5 =	simm.s32 @!p2 $0x0  }
0x1d: {  	s5 =	simm.s32 @p1 $0x1;
	p0 =	seq.s32 s7, s2  }
0x1e: {  	s7 =	smul.u32 @!p0 $0xF7A, s2;
	p2 =	seq.s32 @!p0 s5, $0x0  }
0x1f: {  	s9 =	smul.u32 $0xF7A, s1;
	s8 =	simm.s32 @!p0 $0x1BF5;
	p2 =	por !p2, p0  }
0x20: {  	[sflag:s8] =	ssyncset.s32 @!p0 $0xFFFFF086;
	s6 =	sadd.s32 @!p0 s3, s7;
	s7 =	simm.s32 @!p0 $0x108  }
0x21: {  	s3 =	sadd.s32 s3, s9;
	s6 =	sadd.s32 @!p0 $0x88, s6;
	s7 =	simm.s32 @p2 $0x1082  }
0x22: {  	[simem:s7], [sflag:s8] =	dma.local @!p0 [hbm:s6], $0xF7A  }
0x23: {  	s9 =	sor.u32 $0xD0000000, s2;
	s6 =	simm.s32 $0x108;
	_ =	swait.ge @!p0 [sflag:s8], $0x0  }
0x24: {  	s3 =	sadd.s32 $0x88, s3;
	s6 =	simm.s32 @!p1 $0x1082;
	[sflag:s4] =	ssyncset.s32 $0xFFFFF086  }
0x25: {  	[simem:s6], [sflag:s4] =	dma.local [hbm:s3], $0xF7A  }
0x26: {  	[smem:$0x3FA0] =	sst s1;
	(tag) =	ssettag s2;
	_ =	strace s9  }
0x27: {  	s1 =	sld [smem:$0x3FB0]  }
0x28: {  	s2 =	sld [smem:$0x3FB1]  }
0x29: {  	s4 =	sld [smem:$0x3FB3]  }
0x2a: {  	p0 =	seq.s32 s5, $0x0;
	s5 =	sld [smem:$0x3FB4]  }
0x2b: {  	s6 =	sld [smem:$0x3FB5]  }
0x2c: {  	s7 =	sld [smem:$0x3FB6]  }
0x2d: {  	s3 =	simm.s32 $0x108;
	s8 =	sld [smem:$0x3FB7]  }
0x2e: {  	s3 =	simm.s32 @!p0 $0x1082;
	s9 =	sld [smem:$0x3FB8]  }
0x2f: {  	lr =	sadd.s32 s0, s3;
	s0 =	sld [smem:$0x3FAF]  }
0x30: {  	s3 =	sld [smem:$0x3FB2]  }
0x31: {  	[smem:$0x3FBB] =	sst s10  }
0x32: {  	s10 =	sld [smem:$0x3FB9];
	_ =	sdelay $0x3  }
0x33: {  	p0 =	seq.s32 s10, $0x1;
	s10 =	sld [smem:$0x3FBB];
	_ =	sdelay $0x3  }
0x34: {  	[smem:$0x3FBB] =	sst s10  }
0x35: {  	s10 =	sld [smem:$0x3FBA];
	_ =	sdelay $0x3  }
0x36: {  	p1 =	seq.s32 s10, $0x1;
	s10 =	sld [smem:$0x3FBB];
	_ =	sdelay $0x3  }
0x37: {  	[smem:$0x3FBB] =	sst s10  }
0x38: {  	s10 =	sld [smem:$0x3FBC]  }
0x39: {  	_ = 	snop;
	(pc) =	sbr.ind lr, $3  }
0x3a: {  	_ = 	snop  }
0x3b: {  	_ = 	snop  }
0x3c: {  	p2 =	seq.s32 s10, $0x1;
	s10 =	sld [smem:$0x3FBB]  }
0x3d: {  	_ =	shalt  }
0x3e: {  	_ =	shalt  }
0x3f: {  	_ =	shalt  }
0x40: {  	_ =	shalt  }
0x41: {  	_ =	shalt  }
0x42: {  	_ =	shalt  }
0x43: {  	_ =	shalt  }
0x44: {  	_ =	shalt  }
0x45: {  	_ =	shalt  }
0x46: {  	_ =	shalt  }
0x47: {  	_ =	shalt  }
0x48: {  	_ =	shalt  }
0x49: {  	_ =	shalt  }
0x4a: {  	_ =	shalt  }
0x4b: {  	_ =	shalt  }
0x4c: {  	_ =	shalt  }
0x4d: {  	_ =	shalt  }
0x4e: {  	_ =	shalt  }
0x4f: {  	_ =	shalt  }
0x50: {  	_ =	shalt  }
0x51: {  	_ =	shalt  }
0x52: {  	_ =	shalt  }
0x53: {  	_ =	shalt  }
0x54: {  	_ =	shalt  }
0x55: {  	_ =	shalt  }
0x56: {  	_ =	shalt  }
0x57: {  	_ =	shalt  }
0x58: {  	_ =	shalt  }
0x59: {  	_ =	shalt  }
0x5a: {  	_ =	shalt  }
0x5b: {  	_ =	shalt  }
0x5c: {  	_ =	shalt  }
0x5d: {  	_ =	shalt  }
0x5e: {  	_ =	shalt  }
0x5f: {  	_ =	shalt  }
0x60: {  	_ =	shalt  }
0x61: {  	_ =	shalt  }
0x62: {  	_ =	shalt  }
0x63: {  	_ =	shalt  }
0x64: {  	_ =	shalt  }
0x65: {  	_ =	shalt  }
0x66: {  	_ =	shalt  }
0x67: {  	_ =	shalt  }
0x68: {  	_ =	shalt  }
0x69: {  	_ =	shalt  }
0x6a: {  	_ =	shalt  }
0x6b: {  	_ =	shalt  }
0x6c: {  	_ =	shalt  }
0x6d: {  	_ =	shalt  }
0x6e: {  	_ =	shalt  }
0x6f: {  	_ =	shalt  }
0x70: {  	_ =	shalt  }
0x71: {  	_ =	shalt  }
0x72: {  	_ =	shalt  }
0x73: {  	_ =	shalt  }
0x74: {  	_ =	shalt  }
0x75: {  	_ =	shalt  }
0x76: {  	_ =	shalt  }
0x77: {  	_ =	shalt  }
0x78: {  	_ =	shalt  }
0x79: {  	_ =	shalt  }
0x7a: {  	_ =	shalt  }
0x7b: {  	_ =	shalt  }
0x7c: {  	_ =	shalt  }
0x7d: {  	_ =	shalt  }
0x7e: {  	_ =	shalt  }
0x7f: {  	_ =	shalt  }
0x80: {  	_ =	shalt  }
0x81: {  	_ =	shalt  }
0x82: {  	_ =	shalt  }
0x83: {  	_ =	shalt  }
0x84: {  	_ =	shalt  }
0x85: {  	_ =	shalt  }
0x86: {  	_ =	shalt  }
0x87: {  	_ =	shalt  }
.Lfunc_end0:
.L_simem_size_0:
called_computation.1_lowered:
.L_overlay_start_0:
0x88: {  	s2 =	sld [smem:$0x3FD9]  }
0x89: {  	s3 =	sld [smem:$0x3FFE];
	_ =	sdelay $0x1  }
0x8a: {  	s1 =	srdreg.scid  }
0x8b: {  	s0 =	sand.u32 $0x1, s1  }
0x8c: {  	s17 =	sshll.u32 s0, $0xA;
	s2 =	sadd.s32 s3, s2  }
0x8d: {  	s2 =	sadd.s32 s2, s17  }
0x8e: {  	[smem:$0x3FC7] =	sst s2  }
0x8f: {  	_ = 	snop  }
0x90: {  	s2 =	sld [smem:$0x3FD0];
	(tm) =	ssettm $0x1  }
0x91: {  	s18 =	sld [smem:$0x3FFB];
	_ =	sdelay $0x3  }
0x92: {  	_ =	strace s18  }
0x93: {  	s3 =	sld [smem:$0x3FFC];
	_ =	sdelay $0x3  }
0x94: {  	_ =	strace s3  }
0x95: {  	s3 =	sld [smem:$0x3FFD];
	_ =	sdelay $0x3  }
0x96: {  	_ =	strace s3  }
0x97: {  	_ =	strace $0x8FFFFFFF  }
0x98: {  	s19 =	sld [smem:$0x3FDB];
	_ =	sdelay $0x1  }
0x99: {  	s4 =	simm.s32 $_scs_section_size  }
0x9a: {  	s5 =	simm.s32 $_size__tile_overlayer_lowered;
	s6 =	simm.s32 $_tile_overlayer_lowered  }
0x9b: {  	s22 =	simm.s32 $0x1BFF;
	s21 =	sshll.u32 s6, $0x1;
	s3 =	sadd.s32 s4, s19  }
0x9c: {  	s7 =	simm.s32 $0x0;
	s20 =	sshll.u32 s5, $0x1;
	s5 =	sadd.s32 s21, s3  }
0x9d: {  	[timem:s7], [sflag:s22] =	dma.local [hbm:s5], s20  }
0x9e: {  	_ =	swait.ge [sflag:s22], s20  }
0x9f: {  	s4 =	ssub.s32 $0x0, s20;
	[sflag:s22] =	ssyncset.done $0x0  }
0xa0: {  	[sflag:s22] =	ssyncadd.s32 s4;
	_ =	sdelay $0x1  }
0xa1: {  	s23 =	simm.s32 $0x1B8B  }
0xa2: {  	_ =	swait.ge [sflag:s23], $0x1  }
0xa3: {  	[sflag:s23] =	ssyncset.done $0x0  }
0xa4: {  	s25 =	simm.s32 $0x1B8E;
	s24 =	sld [smem:$0x3FFE];
	[sflag:s23] =	ssyncadd.s32 $0xFFFFFFFF  }
0xa5: {  	s26 =	simm.s32 $execute0_lowered;
	[smem:$0x3FD2] =	sst s25  }
0xa6: {  	s5 =	sshll.u32 s26, $0x1;
	_ =	strace $0x80000046;
	[dreg:$0x1] =	wrdreg $0xFFFFFFFF  }
0xa7: {  	s28 =	simm.s32 $_size_execute0_lowered;
	s3 =	sadd.s32 s3, s5;
	[dreg:$0x0] =	wrdreg $0x0  }
0xa8: {  	s5 =	sshll.u32 s28, $0x1;
	[dreg:$0x2] =	wrdreg s3  }
0xa9: {  	[dreg:$0x3] =	wrdreg s5  }
0xaa: {  	[dreg:$0x4] =	wrdreg $0xC0  }
0xab: {  	_ =	task [dreg:s7], $0x5FFFF  }
0xac: {  	[dreg:$0x1] =	wrdreg $0xFFFFFFFF  }
0xad: {  	[dreg:$0x0] =	wrdreg $0x60  }
0xae: {  	[dreg:$0x2] =	wrdreg s2  }
0xaf: {  	[dreg:$0x3] =	wrdreg s24  }
0xb0: {  	[dreg:$0x4] =	wrdreg $0x9  }
0xb1: {  	_ =	task.clear_ibuf [dreg:s7], $0x5FFFF;
	_ =	strace $0x90000046  }
0xb2: {  	s29 =	simm.s32 $0x9;
	_ =	strace $0x80000048  }
0xb3: {  	_ =	swait.ge [sflag:s29], $0x1  }
0xb4: {  	[sflag:s29] =	ssyncadd.s32 $0xFFFFFFFF  }
0xb5: {  	_ =	strace $0x90000048  }
0xb6: {  	_ =	sfence  }
0xb7: {  	s30 =	sld [smem:$0x0];
	_ =	sdelay $0x2  }
0xb8: {  	s31 =	sshll.u32 s1, $0xD;
	s1 =	sshrl.u32 s1, $0x2  }
0xb9: {  	s3 =	sand.u32 $0x4000, s31;
	s1 =	sadd.s32 s1, s30  }
0xba: {  	s0 =	sor.u32 s3, s0;
	s1 =	sshll.u32 s1, $0x11  }
0xbb: {  	s0 =	sor.u32 s1, s0  }
0xbc: {  	s0 =	sadd.s32 $0x8F2B, s0  }
0xbd: {  	[sflag:s0] =	ssyncadd.remote.s32 $0x1  }
0xbe: {  	_ =	sfence.sel $0xFFFF  }
0xbf: {  	[dreg:$0x0] =	wrdreg $0xFFFFFFFF;
	(pc) =	sbr.abs _section_cstart, $3  }
0xc0: {  	[dreg:$0x1] =	wrdreg $0xFFFFFFFF  }
0xc1: {  	_ =	task.clear_ibuf [dreg:s7], $0x2FFFF;
	_ =	strace $0x9FFFFFFF  }
0xc2: {  	(tm) =	ssettm $0x7FFFFFFF  }
0xc3: {  	_ =	shalt  }
tec
execute0_lowered:
.L_overlay_start_1:
0x0: {  	(tag) =	ssettag $0x1  }
0x1: {  	s2 =	rddreg [dreg:$0x0]  }
0x2: {  	s0 =	rddreg [dreg:$0x1]  }
0x3: {  	s1 =	srdreg.scid;
	s12 =	stileid.u32  }
0x4: {  	s3 =	simm.s32 $0x0;
	s13 =	simm.s32 $0x4000;
	s14 =	simm.s32 $0x8000  }
0x5: {  	s15 =	simm.s32 $0xC000;
	s18 =	simm.s32 $0x10300;
	s19 =	simm.s32 $0x10380  }
0x6: {  	s20 =	simm.s32 $0x5;
	s21 =	simm.s32 $0x6;
	s22 =	simm.s32 $0x7  }
0x7: {  	s23 =	simm.s32 $0x8;
	s24 =	simm.s32 $0x1;
	s25 =	simm.s32 $0x2  }
0x8: {  	s28 =	simm.s32 $0x4;
	s29 =	simm.s32 $0x0;
	s1 =	sand.u32 $0x1, s1  }
0x9: {  	s4 =	sshll.u32 s12, $0xA;
	[smem:$0x7FF] =	sst s3;
	s11 =	sshll.u32 s12, $0x15  }
0xa: {  	s12 =	sshll.u32 s12, $0xE;
	s5 =	sshll.u32 s1, $0x9;
	s6 =	ssub.s32 $0x2, s1  }
0xb: {  	v0 =	vlaneseq.u32;
	_ =	strace $0x80000047;
	s31 =	sshll.u32 s1, $0x14;
	s1 =	sshll.u32 s1, $0xD  }
.Ltmp0:
0xc: {  	v1 =	vmul.u32 $0x80, v0;
	s4 =	sor.u32 s5, s4;
	s7 =	sshrl.u32 s6, $0x1;
	(pc) =	sbr.rel .LBB2_1-.Ltmp0, $4  }
0xd: {  	v2 =	vimm.f32 $-1.200000000e+01;
	v6 =	vimm.f32 $1.200000000e+01;
	v3 =	vor.u32 $0x10, v0;
	s5 =	sadd.s32 $0x800, s0;
	s12 =	sor.u32 s1, s12;
	s8 =	sshll.u32 s4, $0x4  }
0xe: {  	v4 =	vor.u32 $0x20, v0;
	v5 =	vor.u32 $0x30, v0;
	v7 =	vor.u32 $0x800, v1;
	s26 =	ssub.s32 s6, s7;
	s30 =	sadd.s32 s11, s5;
	s6 =	sadd.s32 s2, s8  }
0xf: {  	v8 =	vor.u32 $0x1000, v1;
	v9 =	vor.u32 $0x1800, v1;
	v10 =	vor.u32 $0x2000, v1;
	s10 =	smax.u32 s26, $0x1;
	s0 =	sadd.s32 s31, s30;
	s26 =	simm.s32 $0x3  }
0x10: {  	v11 =	vor.u32 $0x2800, v1;
	v12 =	vor.u32 $0x3000, v1;
	v13 =	vor.u32 $0x3800, v1;
	s7 =	sadd.s32 $0x10, s6;
	s8 =	sadd.s32 $0x20, s6;
	s9 =	sadd.s32 $0x30, s6  }
.LBB2_18:
0x11: {  	_ =	swait.ge [sflag:s24], $0x4000  }
0x12: {  	[sflag:s24] =	ssyncset.done $0x0  }
0x13: {  	[sflag:s24] =	ssyncadd.s32 $0xFFFFC000  }
0x14: {  	_ =	swait.ge [sflag:s25], $0x4000  }
0x15: {  	[sflag:s25] =	ssyncset.done $0x0  }
0x16: {  	s29 =	sadd.s32 $0x1, s29;
	[sflag:s25] =	ssyncadd.s32 $0xFFFFC000  }
0x17: {  	p0 =	sne.s32 s29, s10;
	_ =	swait.ge [sflag:s26], $0x4000  }
.Ltmp1:
0x18: {  	[sflag:s26] =	ssyncset.done $0x0;
	(pc) =	sbr.rel @!p0 .LBB2_19-.Ltmp1, $4  }
0x19: {  	[sflag:s26] =	ssyncadd.s32 $0xFFFFC000  }
0x1a: {  	_ =	swait.ge [sflag:s28], $0x4000  }
0x1b: {  	[sflag:s28] =	ssyncset.done $0x0  }
0x1c: {  	[sflag:s28] =	ssyncadd.s32 $0xFFFFC000  }
.LBB2_1:
0x1d: {  	s11 =	simm.s32 $0x0  }
0x1e: {  	v16 =	vor.u32 s11, v0;
	_ =	sdelay $0x1  }
0x1f: {  	v14 =	vor.u32 s11, v3  }
0x20: {  	v15 =	vor.u32 s11, v4  }
0x21: {  	s1 =	simm.s32 $0x1;
	v18 =	vmov s11;
	v17 =	vor.u32 s11, v5;
	s11 =	simm.s32 $0x0  }
.LBB2_2:
0x22: {  	s16 =	sshll.u32 s1, $0x7;
	[tilespmem:v16+s11+$0x0] =	vst.idx.msk $0xffff, v2;
	v19 =	vor.u32 $0x40, v18;
	p0 =	sne.s32 s1, $0x7F  }
.Ltmp2:
0x23: {  	v16 =	vor.u32 s16, v0;
	(pc) =	sbr.rel @p0 .LBB2_2-.Ltmp2, $4  }
0x24: {  	[tilespmem:v14+s11+$0x0] =	vst.idx.msk $0xffff, v2  }
0x25: {  	v14 =	vor.u32 s16, v3;
	[tilespmem:v15+s11+$0x0] =	vst.idx.msk $0xffff, v2  }
0x26: {  	s1 =	sadd.s32 $0x1, s1;
	v15 =	vor.u32 s16, v4;
	[tilespmem:v17+s11+$0x0] =	vst.idx.msk $0xffff, v2  }
0x27: {  	v18 =	vmov s16;
	v17 =	vor.u32 s16, v5;
	[tilespmem:v19+s11+$0x0] =	vst.idx.msk $0xffff, v2;
	s11 =	simm.s32 $0x0  }
0x28: {  	_ =	sdelay $0x3  }
0x29: {  	[tilespmem:v16+s11+$0x0] =	vst.idx.msk $0xffff, v2  }
0x2a: {  	v18 =	vor.u32 $0x40, v18;
	s1 =	simm.s32 $0x0;
	[tilespmem:v14+s11+$0x0] =	vst.idx.msk $0xffff, v2  }
0x2b: {  	[tilespmem:v15+s11+$0x0] =	vst.idx.msk $0xffff, v2;
	v15 =	vor.u32 s1, v0;
	_ =	sdelay $0x1  }
0x2c: {  	v14 =	vor.u32 s1, v3  }
0x2d: {  	v16 =	vor.u32 s1, v4;
	[tilespmem:v17+s11+$0x0] =	vst.idx.msk $0xffff, v2  }
0x2e: {  	v17 =	vor.u32 s1, v5;
	[tilespmem:v18+s11+$0x0] =	vst.idx.msk $0xffff, v2;
	s11 =	simm.s32 $0x1;
	v18 =	vmov s1  }
.LBB2_4:
0x2f: {  	s16 =	sshll.u32 s11, $0x7;
	[tilespmem:v15+s13+$0x0] =	vst.idx.msk $0xffff, v2;
	v19 =	vor.u32 $0x40, v18;
	p0 =	sne.s32 s11, $0x7F  }
.Ltmp3:
0x30: {  	v15 =	vor.u32 s16, v0;
	(pc) =	sbr.rel @p0 .LBB2_4-.Ltmp3, $4  }
0x31: {  	[tilespmem:v14+s13+$0x0] =	vst.idx.msk $0xffff, v2  }
0x32: {  	v14 =	vor.u32 s16, v3;
	[tilespmem:v16+s13+$0x0] =	vst.idx.msk $0xffff, v2  }
0x33: {  	s11 =	sadd.s32 $0x1, s11;
	v16 =	vor.u32 s16, v4;
	[tilespmem:v17+s13+$0x0] =	vst.idx.msk $0xffff, v2  }
0x34: {  	v18 =	vmov s16;
	v17 =	vor.u32 s16, v5;
	[tilespmem:v19+s13+$0x0] =	vst.idx.msk $0xffff, v2  }
0x35: {  	_ =	sdelay $0x2  }
0x36: {  	v18 =	vor.u32 $0x40, v18  }
0x37: {  	[tilespmem:v15+s13+$0x0] =	vst.idx.msk $0xffff, v2;
	v15 =	vor.u32 s1, v0  }
0x38: {  	[tilespmem:v14+s13+$0x0] =	vst.idx.msk $0xffff, v2  }
0x39: {  	v14 =	vor.u32 s1, v3;
	[tilespmem:v16+s13+$0x0] =	vst.idx.msk $0xffff, v2  }
0x3a: {  	v16 =	vor.u32 s1, v4;
	[tilespmem:v17+s13+$0x0] =	vst.idx.msk $0xffff, v2  }
0x3b: {  	s11 =	simm.s32 $0x1;
	v17 =	vor.u32 s1, v5;
	[tilespmem:v18+s13+$0x0] =	vst.idx.msk $0xffff, v2;
	v18 =	vmov s1  }
.LBB2_6:
0x3c: {  	s1 =	sshll.u32 s11, $0x7;
	[tilespmem:v15+s14+$0x0] =	vst.idx.msk $0xffff, v2;
	v19 =	vor.u32 $0x40, v18;
	p0 =	sne.s32 s11, $0x7F  }
.Ltmp4:
0x3d: {  	v15 =	vor.u32 s1, v0;
	(pc) =	sbr.rel @p0 .LBB2_6-.Ltmp4, $4  }
0x3e: {  	[tilespmem:v14+s14+$0x0] =	vst.idx.msk $0xffff, v2  }
0x3f: {  	v14 =	vor.u32 s1, v3;
	[tilespmem:v16+s14+$0x0] =	vst.idx.msk $0xffff, v2  }
0x40: {  	s11 =	sadd.s32 $0x1, s11;
	v16 =	vor.u32 s1, v4;
	[tilespmem:v17+s14+$0x0] =	vst.idx.msk $0xffff, v2  }
0x41: {  	v18 =	vmov s1;
	v17 =	vor.u32 s1, v5;
	[tilespmem:v19+s14+$0x0] =	vst.idx.msk $0xffff, v2  }
0x42: {  	_ =	sdelay $0x2  }
0x43: {  	v18 =	vor.u32 $0x40, v18;
	s11 =	simm.s32 $0x0  }
0x44: {  	[tilespmem:v15+s14+$0x0] =	vst.idx.msk $0xffff, v2;
	v15 =	vor.u32 s11, v0  }
0x45: {  	[tilespmem:v14+s14+$0x0] =	vst.idx.msk $0xffff, v2  }
0x46: {  	v14 =	vor.u32 s11, v3;
	[tilespmem:v16+s14+$0x0] =	vst.idx.msk $0xffff, v2  }
0x47: {  	v16 =	vor.u32 s11, v4;
	[tilespmem:v17+s14+$0x0] =	vst.idx.msk $0xffff, v2  }
0x48: {  	s1 =	simm.s32 $0x1;
	v17 =	vor.u32 s11, v5;
	[tilespmem:v18+s14+$0x0] =	vst.idx.msk $0xffff, v2;
	v18 =	vmov s11  }
.LBB2_8:
0x49: {  	s11 =	sshll.u32 s1, $0x7;
	[tilespmem:v15+s15+$0x0] =	vst.idx.msk $0xffff, v2;
	v19 =	vor.u32 $0x40, v18;
	p0 =	sne.s32 s1, $0x7F  }
.Ltmp5:
0x4a: {  	v15 =	vor.u32 s11, v0;
	(pc) =	sbr.rel @p0 .LBB2_8-.Ltmp5, $4  }
0x4b: {  	[tilespmem:v14+s15+$0x0] =	vst.idx.msk $0xffff, v2  }
0x4c: {  	v14 =	vor.u32 s11, v3;
	[tilespmem:v16+s15+$0x0] =	vst.idx.msk $0xffff, v2  }
0x4d: {  	s1 =	sadd.s32 $0x1, s1;
	v16 =	vor.u32 s11, v4;
	[tilespmem:v17+s15+$0x0] =	vst.idx.msk $0xffff, v2  }
0x4e: {  	v18 =	vmov s11;
	v17 =	vor.u32 s11, v5;
	[tilespmem:v19+s15+$0x0] =	vst.idx.msk $0xffff, v2  }
0x4f: {  	_ =	sdelay $0x2  }
0x50: {  	v18 =	vor.u32 $0x40, v18  }
0x51: {  	[tilespmem:v15+s15+$0x0] =	vst.idx.msk $0xffff, v2  }
0x52: {  	[tilespmem:v14+s15+$0x0] =	vst.idx.msk $0xffff, v2  }
0x53: {  	[tilespmem:v16+s15+$0x0] =	vst.idx.msk $0xffff, v2  }
0x54: {  	[tilespmem:v17+s15+$0x0] =	vst.idx.msk $0xffff, v2  }
0x55: {  	s1 =	simm.s32 $0x10200;
	[tilespmem:v18+s15+$0x0] =	vst.idx.msk $0xffff, v2  }
0x56: {  	[tilespmem:s1], [sflag:$0x5] =	stream.linear.gather [hbm4b:s6+s3], $0x80, $0x38;
	[tilespmem:$0x10400] =	vst v63  }
0x57: {  	s17 =	simm.s32 $0x10280  }
0x58: {  	[tilespmem:s17], [sflag:$0x6] =	stream.linear.gather [hbm4b:s7+s3], $0x80, $0x38;
	[tilespmem:$0x10400] =	vst v63  }
0x59: {  	_ = 	snop  }
0x5a: {  	[tilespmem:s18], [sflag:$0x7] =	stream.linear.gather [hbm4b:s8+s3], $0x80, $0x38;
	[tilespmem:$0x10400] =	vst v63  }
0x5b: {  	s30 =	simm.s32 $0x3;
	s31 =	simm.s32 $0x70;
	s11 =	smov.u32 s0  }
0x5c: {  	[tilespmem:s19], [sflag:$0x8] =	stream.linear.gather [hbm4b:s9+s3], $0x80, $0x38;
	[tilespmem:$0x10400] =	vst v63  }
.LBB2_10:
0x5d: {  	p0 =	seq.s32 s31, $0x70  }
0x5e: {  	s1 =	simm.s32 @!p0 $0x1  }
0x5f: {  	_ =	swait.ge @!p0 [sflag:s1], $0x4000  }
0x60: {  	[sflag:s1] =	ssyncset.done @!p0 $0x0  }
0x61: {  	[sflag:s1] =	ssyncadd.s32 @!p0 $0xFFFFC000  }
0x62: {  	_ =	swait.ge [sflag:s20], $0x80  }
0x63: {  	[sflag:s20] =	ssyncset.done $0x0  }
0x64: {  	[sflag:s20] =	ssyncadd.s32 $0xFFFFFF80  }
0x65: {  	v14 =	vld @!p0 [tilespmem:$0x10000];
	_ =	sdelay $0x1  }
0x66: {  	v15 =	vlaneseq.u32 @!p0  }
0x67: {  	v15 =	vmul.u32 @!p0 $0x80, v15;
	_ =	sdelay $0x1  }
0x68: {  	v16 =	vadd.s32 @!p0 v15, v14;
	_ =	sdelay $0x3  }
0x69: {  	s1 =	simm.s32 @!p0 $0x0;
	v14 =	vimm.f32 @!p0 $-1.200000000e+01  }
0x6a: {  	[tilespmem:v16+s1+$0x0] =	vst.idx.msk @!p0 $0xffff, v14  }
0x6b: {  	v16 =	vld [tilespmem:$0x10200];
	_ =	sdelay $0x4  }
0x6c: {  	v16 =	vadd.f32 $1.258291200e+07, v16;
	_ =	sdelay $0x1  }
0x6d: {  	v16 =	vadd.f32 $-1.258291200e+07, v16;
	_ =	sdelay $0x1  }
0x6e: {  	v16 =	vmax.f32 v16, $0.0e+00  }
0x6f: {  	v16 =	vmin.f32 v16, $6.400000000e+01  }
0x70: {  	v16 =	vtrunc.f32 v16  }
0x71: {  	v16 =	vcvt.f32.s32 v16;
	_ =	sdelay $0x1  }
0x72: {  	v17 =	vadd.s32 v1, v16;
	_ =	sdelay $0x3  }
0x73: {  	[tilespmem:$0x10000] =	vst v16  }
0x74: {  	[tilespmem:v17+s3+$0x0] =	vst.idx.msk $0xffff, v6  }
0x75: {  	v17 =	vld @!p0 [tilespmem:$0x10010];
	_ =	sdelay $0x3  }
0x76: {  	v16 =	vor.u32 @!p0 $0x800, v15  }
0x77: {  	v17 =	vadd.s32 @!p0 v16, v17;
	_ =	sdelay $0x4  }
0x78: {  	[tilespmem:v17+s1+$0x0] =	vst.idx.msk @!p0 $0xffff, v14  }
0x79: {  	v17 =	vld [tilespmem:$0x10210];
	_ =	sdelay $0x4  }
0x7a: {  	v17 =	vadd.f32 $1.258291200e+07, v17;
	_ =	sdelay $0x1  }
0x7b: {  	v17 =	vadd.f32 $-1.258291200e+07, v17;
	_ =	sdelay $0x1  }
0x7c: {  	v17 =	vmax.f32 v17, $0.0e+00  }
0x7d: {  	v17 =	vmin.f32 v17, $6.400000000e+01  }
0x7e: {  	v17 =	vtrunc.f32 v17  }
0x7f: {  	v17 =	vcvt.f32.s32 v17;
	_ =	sdelay $0x1  }
0x80: {  	v18 =	vadd.s32 v7, v17;
	_ =	sdelay $0x3  }
0x81: {  	[tilespmem:$0x10010] =	vst v17  }
0x82: {  	[tilespmem:v18+s3+$0x0] =	vst.idx.msk $0xffff, v6  }
0x83: {  	v18 =	vld @!p0 [tilespmem:$0x10020];
	_ =	sdelay $0x3  }
0x84: {  	v17 =	vor.u32 @!p0 $0x1000, v15  }
0x85: {  	v18 =	vadd.s32 @!p0 v17, v18;
	_ =	sdelay $0x4  }
0x86: {  	[tilespmem:v18+s1+$0x0] =	vst.idx.msk @!p0 $0xffff, v14  }
0x87: {  	v18 =	vld [tilespmem:$0x10220];
	_ =	sdelay $0x4  }
0x88: {  	v18 =	vadd.f32 $1.258291200e+07, v18;
	_ =	sdelay $0x1  }
0x89: {  	v18 =	vadd.f32 $-1.258291200e+07, v18;
	_ =	sdelay $0x1  }
0x8a: {  	v18 =	vmax.f32 v18, $0.0e+00  }
0x8b: {  	v18 =	vmin.f32 v18, $6.400000000e+01  }
0x8c: {  	v18 =	vtrunc.f32 v18  }
0x8d: {  	v18 =	vcvt.f32.s32 v18;
	_ =	sdelay $0x1  }
0x8e: {  	v19 =	vadd.s32 v8, v18;
	_ =	sdelay $0x3  }
0x8f: {  	[tilespmem:$0x10020] =	vst v18  }
0x90: {  	[tilespmem:v19+s3+$0x0] =	vst.idx.msk $0xffff, v6  }
0x91: {  	v19 =	vld @!p0 [tilespmem:$0x10030];
	_ =	sdelay $0x3  }
0x92: {  	v18 =	vor.u32 @!p0 $0x1800, v15  }
0x93: {  	v19 =	vadd.s32 @!p0 v18, v19;
	_ =	sdelay $0x4  }
0x94: {  	[tilespmem:v19+s1+$0x0] =	vst.idx.msk @!p0 $0xffff, v14  }
0x95: {  	v19 =	vld [tilespmem:$0x10230];
	_ =	sdelay $0x4  }
0x96: {  	v19 =	vadd.f32 $1.258291200e+07, v19;
	_ =	sdelay $0x1  }
0x97: {  	v19 =	vadd.f32 $-1.258291200e+07, v19;
	_ =	sdelay $0x1  }
0x98: {  	v19 =	vmax.f32 v19, $0.0e+00  }
0x99: {  	v19 =	vmin.f32 v19, $6.400000000e+01  }
0x9a: {  	v19 =	vtrunc.f32 v19  }
0x9b: {  	v19 =	vcvt.f32.s32 v19;
	_ =	sdelay $0x1  }
0x9c: {  	v20 =	vadd.s32 v9, v19;
	_ =	sdelay $0x3  }
0x9d: {  	[tilespmem:$0x10030] =	vst v19  }
0x9e: {  	[tilespmem:v20+s3+$0x0] =	vst.idx.msk $0xffff, v6  }
0x9f: {  	v20 =	vld @!p0 [tilespmem:$0x10040];
	_ =	sdelay $0x3  }
0xa0: {  	v19 =	vor.u32 @!p0 $0x2000, v15  }
0xa1: {  	v20 =	vadd.s32 @!p0 v19, v20;
	_ =	sdelay $0x4  }
0xa2: {  	[tilespmem:v20+s1+$0x0] =	vst.idx.msk @!p0 $0xffff, v14  }
0xa3: {  	v20 =	vld [tilespmem:$0x10240];
	_ =	sdelay $0x4  }
0xa4: {  	v20 =	vadd.f32 $1.258291200e+07, v20;
	_ =	sdelay $0x1  }
0xa5: {  	v20 =	vadd.f32 $-1.258291200e+07, v20;
	_ =	sdelay $0x1  }
0xa6: {  	v20 =	vmax.f32 v20, $0.0e+00  }
0xa7: {  	v20 =	vmin.f32 v20, $6.400000000e+01  }
0xa8: {  	v20 =	vtrunc.f32 v20  }
0xa9: {  	v20 =	vcvt.f32.s32 v20;
	_ =	sdelay $0x1  }
0xaa: {  	v21 =	vadd.s32 v10, v20;
	_ =	sdelay $0x3  }
0xab: {  	[tilespmem:$0x10040] =	vst v20  }
0xac: {  	[tilespmem:v21+s3+$0x0] =	vst.idx.msk $0xffff, v6  }
0xad: {  	v21 =	vld @!p0 [tilespmem:$0x10050];
	_ =	sdelay $0x3  }
0xae: {  	v20 =	vor.u32 @!p0 $0x2800, v15  }
0xaf: {  	v21 =	vadd.s32 @!p0 v20, v21;
	_ =	sdelay $0x4  }
0xb0: {  	[tilespmem:v21+s1+$0x0] =	vst.idx.msk @!p0 $0xffff, v14  }
0xb1: {  	v21 =	vld [tilespmem:$0x10250];
	_ =	sdelay $0x4  }
0xb2: {  	v21 =	vadd.f32 $1.258291200e+07, v21;
	_ =	sdelay $0x1  }
0xb3: {  	v21 =	vadd.f32 $-1.258291200e+07, v21;
	_ =	sdelay $0x1  }
0xb4: {  	v21 =	vmax.f32 v21, $0.0e+00  }
0xb5: {  	v21 =	vmin.f32 v21, $6.400000000e+01  }
0xb6: {  	v21 =	vtrunc.f32 v21  }
0xb7: {  	v21 =	vcvt.f32.s32 v21;
	_ =	sdelay $0x1  }
0xb8: {  	v22 =	vadd.s32 v11, v21;
	_ =	sdelay $0x3  }
0xb9: {  	[tilespmem:$0x10050] =	vst v21  }
0xba: {  	[tilespmem:v22+s3+$0x0] =	vst.idx.msk $0xffff, v6  }
0xbb: {  	v22 =	vld @!p0 [tilespmem:$0x10060];
	_ =	sdelay $0x3  }
0xbc: {  	v21 =	vor.u32 @!p0 $0x3000, v15  }
0xbd: {  	v22 =	vadd.s32 @!p0 v21, v22;
	_ =	sdelay $0x4  }
0xbe: {  	[tilespmem:v22+s1+$0x0] =	vst.idx.msk @!p0 $0xffff, v14  }
0xbf: {  	v22 =	vld [tilespmem:$0x10260];
	_ =	sdelay $0x4  }
0xc0: {  	v22 =	vadd.f32 $1.258291200e+07, v22;
	_ =	sdelay $0x1  }
0xc1: {  	v22 =	vadd.f32 $-1.258291200e+07, v22;
	_ =	sdelay $0x1  }
0xc2: {  	v22 =	vmax.f32 v22, $0.0e+00  }
0xc3: {  	v22 =	vmin.f32 v22, $6.400000000e+01  }
0xc4: {  	v22 =	vtrunc.f32 v22  }
0xc5: {  	v22 =	vcvt.f32.s32 v22;
	_ =	sdelay $0x1  }
0xc6: {  	v23 =	vadd.s32 v12, v22;
	_ =	sdelay $0x3  }
0xc7: {  	[tilespmem:$0x10060] =	vst v22  }
0xc8: {  	[tilespmem:v23+s3+$0x0] =	vst.idx.msk $0xffff, v6  }
0xc9: {  	v23 =	vld @!p0 [tilespmem:$0x10070];
	_ =	sdelay $0x3  }
0xca: {  	v22 =	vor.u32 @!p0 $0x3800, v15  }
0xcb: {  	v23 =	vadd.s32 @!p0 v22, v23;
	_ =	sdelay $0x4  }
0xcc: {  	[tilespmem:v23+s1+$0x0] =	vst.idx.msk @!p0 $0xffff, v14  }
0xcd: {  	v23 =	vld [tilespmem:$0x10270];
	_ =	sdelay $0x4  }
0xce: {  	v23 =	vadd.f32 $1.258291200e+07, v23;
	_ =	sdelay $0x1  }
0xcf: {  	v23 =	vadd.f32 $-1.258291200e+07, v23;
	_ =	sdelay $0x1  }
0xd0: {  	v23 =	vmax.f32 v23, $0.0e+00  }
0xd1: {  	v23 =	vmin.f32 v23, $6.400000000e+01  }
0xd2: {  	v23 =	vtrunc.f32 v23  }
0xd3: {  	v23 =	vcvt.f32.s32 v23;
	_ =	sdelay $0x1  }
0xd4: {  	v24 =	vadd.s32 v13, v23;
	_ =	sdelay $0x1  }
0xd5: {  	p1 =	seq.s32 s31, $0x2030  }
0xd6: {  	p2 =	seq.s32 @!p1 s31, $0x70;
	s1 =	sadd.s32 @!p1 $0xFFFFFFD0, s31  }
0xd7: {  	p2 =	por p1, !p2;
	s16 =	sadd.s32 @!p1 s12, s1;
	s1 =	sand.u32 @!p1 $0x40, s1;
	[tilespmem:$0x10070] =	vst v23  }
.Ltmp6:
0xd8: {  	s16 =	sand.u32 @!p1 $0x7FF80, s16;
	s1 =	sadd.s32 @!p1 s2, s1;
	[tilespmem:v24+s3+$0x0] =	vst.idx.msk $0xffff, v6;
	(pc) =	sbr.rel @!p2 .LBB2_12-.Ltmp6, $4  }
0xd9: {  	[hbm4b:s11+s3] =	stream.linear.scatter [tilespmem:s3], [sflag:$0x1], $0x4000, $0x38;
	[tilespmem:$0x10400] =	vst v63  }
0xda: {  	s17 =	simm.s32 @!p1 $0x10200;
	s16 =	sadd.s32 @!p1 s16, s1;
	s1 =	simm.s32 @!p1 $0x0  }
0xdb: {  	[tilespmem:s17], [sflag:$0x5] =	stream.linear.gather @!p1 [hbm4b:s16+s1], $0x80, $0x38;
	[tilespmem:$0x10400] =	vst v63  }
0xdc: {  	s16 =	sadd.s32 @!p1 $0xFFFFFFFE, s30  }
0xdd: {  	_ =	swait.ge [sflag:s25], $0x4000  }
0xde: {  	[sflag:s25] =	ssyncset.done $0x0  }
0xdf: {  	s16 =	simm.s32 @p1 $0x1FD;
	[sflag:s25] =	ssyncadd.s32 $0xFFFFC000  }
.LBB2_12:
0xe0: {  	_ =	swait.ge [sflag:s21], $0x80  }
0xe1: {  	[sflag:s21] =	ssyncset.done $0x0  }
0xe2: {  	[sflag:s21] =	ssyncadd.s32 $0xFFFFFF80  }
0xe3: {  	v23 =	vld @!p0 [tilespmem:$0x10080];
	_ =	sdelay $0x4  }
0xe4: {  	v15 =	vadd.s32 @!p0 v15, v23;
	_ =	sdelay $0x3  }
0xe5: {  	s17 =	simm.s32 @!p0 $0x4000  }
0xe6: {  	[tilespmem:v15+s17+$0x0] =	vst.idx.msk @!p0 $0xffff, v14  }
0xe7: {  	v15 =	vld [tilespmem:$0x10280];
	_ =	sdelay $0x4  }
0xe8: {  	v15 =	vadd.f32 $1.258291200e+07, v15;
	_ =	sdelay $0x1  }
0xe9: {  	v15 =	vadd.f32 $-1.258291200e+07, v15;
	_ =	sdelay $0x1  }
0xea: {  	v15 =	vmax.f32 v15, $0.0e+00  }
0xeb: {  	v15 =	vmin.f32 v15, $6.400000000e+01  }
0xec: {  	v15 =	vtrunc.f32 v15  }
0xed: {  	v15 =	vcvt.f32.s32 v15;
	_ =	sdelay $0x1  }
0xee: {  	v57 =	vadd.s32 v1, v15;
	_ =	sdelay $0x3  }
0xef: {  	[tilespmem:$0x10080] =	vst v15  }
0xf0: {  	[tilespmem:v57+s13+$0x0] =	vst.idx.msk $0xffff, v6  }
0xf1: {  	v15 =	vld @!p0 [tilespmem:$0x10090];
	_ =	sdelay $0x4  }
0xf2: {  	v15 =	vadd.s32 @!p0 v16, v15;
	_ =	sdelay $0x4  }
0xf3: {  	[tilespmem:v15+s17+$0x0] =	vst.idx.msk @!p0 $0xffff, v14  }
0xf4: {  	v15 =	vld [tilespmem:$0x10290];
	_ =	sdelay $0x4  }
0xf5: {  	v15 =	vadd.f32 $1.258291200e+07, v15;
	_ =	sdelay $0x1  }
0xf6: {  	v15 =	vadd.f32 $-1.258291200e+07, v15;
	_ =	sdelay $0x1  }
0xf7: {  	v15 =	vmax.f32 v15, $0.0e+00  }
0xf8: {  	v15 =	vmin.f32 v15, $6.400000000e+01  }
0xf9: {  	v15 =	vtrunc.f32 v15  }
0xfa: {  	v15 =	vcvt.f32.s32 v15;
	_ =	sdelay $0x1  }
0xfb: {  	v58 =	vadd.s32 v7, v15;
	_ =	sdelay $0x3  }
0xfc: {  	[tilespmem:$0x10090] =	vst v15  }
0xfd: {  	[tilespmem:v58+s13+$0x0] =	vst.idx.msk $0xffff, v6  }
0xfe: {  	v15 =	vld @!p0 [tilespmem:$0x100A0];
	_ =	sdelay $0x4  }
0xff: {  	v15 =	vadd.s32 @!p0 v17, v15;
	_ =	sdelay $0x4  }
0x100: {  	[tilespmem:v15+s17+$0x0] =	vst.idx.msk @!p0 $0xffff, v14  }
0x101: {  	v15 =	vld [tilespmem:$0x102A0];
	_ =	sdelay $0x4  }
0x102: {  	v15 =	vadd.f32 $1.258291200e+07, v15;
	_ =	sdelay $0x1  }
0x103: {  	v15 =	vadd.f32 $-1.258291200e+07, v15;
	_ =	sdelay $0x1  }
0x104: {  	v15 =	vmax.f32 v15, $0.0e+00  }
0x105: {  	v15 =	vmin.f32 v15, $6.400000000e+01  }
0x106: {  	v15 =	vtrunc.f32 v15  }
0x107: {  	v15 =	vcvt.f32.s32 v15;
	_ =	sdelay $0x1  }
0x108: {  	v59 =	vadd.s32 v8, v15;
	_ =	sdelay $0x3  }
0x109: {  	[tilespmem:$0x100A0] =	vst v15  }
0x10a: {  	[tilespmem:v59+s13+$0x0] =	vst.idx.msk $0xffff, v6  }
0x10b: {  	v15 =	vld @!p0 [tilespmem:$0x100B0];
	_ =	sdelay $0x4  }
0x10c: {  	v15 =	vadd.s32 @!p0 v18, v15;
	_ =	sdelay $0x4  }
0x10d: {  	[tilespmem:v15+s17+$0x0] =	vst.idx.msk @!p0 $0xffff, v14  }
0x10e: {  	v15 =	vld [tilespmem:$0x102B0];
	_ =	sdelay $0x4  }
0x10f: {  	v15 =	vadd.f32 $1.258291200e+07, v15;
	_ =	sdelay $0x1  }
0x110: {  	v15 =	vadd.f32 $-1.258291200e+07, v15;
	_ =	sdelay $0x1  }
0x111: {  	v15 =	vmax.f32 v15, $0.0e+00  }
0x112: {  	v15 =	vmin.f32 v15, $6.400000000e+01  }
0x113: {  	v15 =	vtrunc.f32 v15  }
0x114: {  	v15 =	vcvt.f32.s32 v15;
	_ =	sdelay $0x1  }
0x115: {  	v60 =	vadd.s32 v9, v15;
	_ =	sdelay $0x3  }
0x116: {  	[tilespmem:$0x100B0] =	vst v15  }
0x117: {  	[tilespmem:v60+s13+$0x0] =	vst.idx.msk $0xffff, v6  }
0x118: {  	v15 =	vld @!p0 [tilespmem:$0x100C0];
	_ =	sdelay $0x4  }
0x119: {  	v15 =	vadd.s32 @!p0 v19, v15;
	_ =	sdelay $0x4  }
0x11a: {  	[tilespmem:v15+s17+$0x0] =	vst.idx.msk @!p0 $0xffff, v14  }
0x11b: {  	v15 =	vld [tilespmem:$0x102C0];
	_ =	sdelay $0x4  }
0x11c: {  	v15 =	vadd.f32 $1.258291200e+07, v15;
	_ =	sdelay $0x1  }
0x11d: {  	v15 =	vadd.f32 $-1.258291200e+07, v15;
	_ =	sdelay $0x1  }
0x11e: {  	v15 =	vmax.f32 v15, $0.0e+00  }
0x11f: {  	v15 =	vmin.f32 v15, $6.400000000e+01  }
0x120: {  	v15 =	vtrunc.f32 v15  }
0x121: {  	v15 =	vcvt.f32.s32 v15;
	_ =	sdelay $0x1  }
0x122: {  	v61 =	vadd.s32 v10, v15;
	_ =	sdelay $0x3  }
0x123: {  	[tilespmem:$0x100C0] =	vst v15  }
0x124: {  	[tilespmem:v61+s13+$0x0] =	vst.idx.msk $0xffff, v6  }
0x125: {  	v15 =	vld @!p0 [tilespmem:$0x100D0];
	_ =	sdelay $0x4  }
0x126: {  	v15 =	vadd.s32 @!p0 v20, v15;
	_ =	sdelay $0x4  }
0x127: {  	[tilespmem:v15+s17+$0x0] =	vst.idx.msk @!p0 $0xffff, v14  }
0x128: {  	v15 =	vld [tilespmem:$0x102D0];
	_ =	sdelay $0x4  }
0x129: {  	v15 =	vadd.f32 $1.258291200e+07, v15;
	_ =	sdelay $0x1  }
0x12a: {  	v15 =	vadd.f32 $-1.258291200e+07, v15;
	_ =	sdelay $0x1  }
0x12b: {  	v15 =	vmax.f32 v15, $0.0e+00  }
0x12c: {  	v15 =	vmin.f32 v15, $6.400000000e+01  }
0x12d: {  	v15 =	vtrunc.f32 v15  }
0x12e: {  	v15 =	vcvt.f32.s32 v15;
	_ =	sdelay $0x1  }
0x12f: {  	v62 =	vadd.s32 v11, v15;
	_ =	sdelay $0x3  }
0x130: {  	[tilespmem:$0x100D0] =	vst v15  }
0x131: {  	[tilespmem:v62+s13+$0x0] =	vst.idx.msk $0xffff, v6  }
0x132: {  	v15 =	vld @!p0 [tilespmem:$0x100E0];
	_ =	sdelay $0x4  }
0x133: {  	v15 =	vadd.s32 @!p0 v21, v15;
	_ =	sdelay $0x4  }
0x134: {  	[tilespmem:v15+s17+$0x0] =	vst.idx.msk @!p0 $0xffff, v14  }
0x135: {  	v15 =	vld [tilespmem:$0x102E0];
	_ =	sdelay $0x4  }
0x136: {  	v15 =	vadd.f32 $1.258291200e+07, v15;
	_ =	sdelay $0x1  }
0x137: {  	v15 =	vadd.f32 $-1.258291200e+07, v15;
	_ =	sdelay $0x1  }
0x138: {  	v15 =	vmax.f32 v15, $0.0e+00  }
0x139: {  	v15 =	vmin.f32 v15, $6.400000000e+01  }
0x13a: {  	v15 =	vtrunc.f32 v15  }
0x13b: {  	v15 =	vcvt.f32.s32 v15;
	_ =	sdelay $0x1  }
0x13c: {  	v63 =	vadd.s32 v12, v15;
	_ =	sdelay $0x3  }
0x13d: {  	[tilespmem:$0x100E0] =	vst v15  }
0x13e: {  	[tilespmem:v63+s13+$0x0] =	vst.idx.msk $0xffff, v6  }
0x13f: {  	v15 =	vld @!p0 [tilespmem:$0x100F0];
	_ =	sdelay $0x4  }
0x140: {  	v15 =	vadd.s32 @!p0 v22, v15;
	_ =	sdelay $0x4  }
0x141: {  	[tilespmem:v15+s17+$0x0] =	vst.idx.msk @!p0 $0xffff, v14  }
0x142: {  	v14 =	vld [tilespmem:$0x102F0];
	_ =	sdelay $0x4  }
0x143: {  	v14 =	vadd.f32 $1.258291200e+07, v14;
	_ =	sdelay $0x1  }
0x144: {  	v14 =	vadd.f32 $-1.258291200e+07, v14;
	_ =	sdelay $0x1  }
0x145: {  	v14 =	vmax.f32 v14, $0.0e+00  }
0x146: {  	v14 =	vmin.f32 v14, $6.400000000e+01  }
0x147: {  	v14 =	vtrunc.f32 v14  }
0x148: {  	v14 =	vcvt.f32.s32 v14;
	_ =	sdelay $0x1  }
0x149: {  	v15 =	vadd.s32 v13, v14;
	_ =	sdelay $0x2  }
0x14a: {  	s16 =	sadd.s32 s4, s16  }
0x14b: {  	s16 =	sshll.u32 s16, $0xB;
	[tilespmem:$0x100F0] =	vst v14  }
0x14c: {  	s16 =	sadd.s32 s5, s16;
	[tilespmem:v15+s13+$0x0] =	vst.idx.msk $0xffff, v6  }
0x14d: {  	[hbm4b:s16+s3] =	stream.linear.scatter [tilespmem:s13], [sflag:$0x2], $0x4000, $0x38;
	[tilespmem:$0x10400] =	vst v63  }
0x14e: {  	s16 =	sadd.s32 @!p1 $0xFFFFFFE0, s31  }
.Ltmp7:
0x14f: {  	s17 =	sadd.s32 @!p1 s12, s16;
	s16 =	sand.u32 @!p1 $0x50, s16;
	(pc) =	sbr.rel @!p2 .LBB2_14-.Ltmp7, $4  }
0x150: {  	s17 =	sand.u32 @!p1 $0x7FF80, s17;
	s16 =	sadd.s32 @!p1 s2, s16  }
0x151: {  	s16 =	sadd.s32 @!p1 s17, s16;
	s17 =	simm.s32 @!p1 $0x10280  }
0x152: {  	[tilespmem:s17], [sflag:$0x6] =	stream.linear.gather @!p1 [hbm4b:s16+s1], $0x80, $0x38;
	[tilespmem:$0x10400] =	vst v63  }
0x153: {  	s1 =	sadd.s32 @!p1 $0xFFFFFFFF, s30  }
0x154: {  	_ =	swait.ge [sflag:s26], $0x4000  }
0x155: {  	[sflag:s26] =	ssyncset.done $0x0  }
0x156: {  	s1 =	simm.s32 @p1 $0x1FE;
	[sflag:s26] =	ssyncadd.s32 $0xFFFFC000  }
.LBB2_14:
0x157: {  	_ =	swait.ge [sflag:s22], $0x80  }
0x158: {  	[sflag:s22] =	ssyncset.done $0x0  }
0x159: {  	[sflag:s22] =	ssyncadd.s32 $0xFFFFFF80  }
0x15a: {  	v14 =	vld @!p0 [tilespmem:$0x10100];
	_ =	sdelay $0x1  }
0x15b: {  	v15 =	vlaneseq.u32 @!p0  }
0x15c: {  	v15 =	vmul.u32 @!p0 $0x80, v15;
	_ =	sdelay $0x1  }
0x15d: {  	v16 =	vadd.s32 @!p0 v15, v14;
	_ =	sdelay $0x3  }
0x15e: {  	s16 =	simm.s32 @!p0 $0x8000;
	v14 =	vimm.f32 @!p0 $-1.200000000e+01  }
0x15f: {  	[tilespmem:v16+s16+$0x0] =	vst.idx.msk @!p0 $0xffff, v14  }
0x160: {  	v16 =	vld [tilespmem:$0x10300];
	_ =	sdelay $0x4  }
0x161: {  	v16 =	vadd.f32 $1.258291200e+07, v16;
	_ =	sdelay $0x1  }
0x162: {  	v16 =	vadd.f32 $-1.258291200e+07, v16;
	_ =	sdelay $0x1  }
0x163: {  	v16 =	vmax.f32 v16, $0.0e+00  }
0x164: {  	v16 =	vmin.f32 v16, $6.400000000e+01  }
0x165: {  	v16 =	vtrunc.f32 v16  }
0x166: {  	v16 =	vcvt.f32.s32 v16;
	_ =	sdelay $0x1  }
0x167: {  	v17 =	vadd.s32 v1, v16;
	_ =	sdelay $0x3  }
0x168: {  	[tilespmem:$0x10100] =	vst v16  }
0x169: {  	[tilespmem:v17+s14+$0x0] =	vst.idx.msk $0xffff, v6  }
0x16a: {  	v17 =	vld @!p0 [tilespmem:$0x10110];
	_ =	sdelay $0x3  }
0x16b: {  	v16 =	vor.u32 @!p0 $0x800, v15  }
0x16c: {  	v17 =	vadd.s32 @!p0 v16, v17;
	_ =	sdelay $0x4  }
0x16d: {  	[tilespmem:v17+s16+$0x0] =	vst.idx.msk @!p0 $0xffff, v14  }
0x16e: {  	v17 =	vld [tilespmem:$0x10310];
	_ =	sdelay $0x4  }
0x16f: {  	v17 =	vadd.f32 $1.258291200e+07, v17;
	_ =	sdelay $0x1  }
0x170: {  	v17 =	vadd.f32 $-1.258291200e+07, v17;
	_ =	sdelay $0x1  }
0x171: {  	v17 =	vmax.f32 v17, $0.0e+00  }
0x172: {  	v17 =	vmin.f32 v17, $6.400000000e+01  }
0x173: {  	v17 =	vtrunc.f32 v17  }
0x174: {  	v17 =	vcvt.f32.s32 v17;
	_ =	sdelay $0x1  }
0x175: {  	v18 =	vadd.s32 v7, v17;
	_ =	sdelay $0x3  }
0x176: {  	[tilespmem:$0x10110] =	vst v17  }
0x177: {  	[tilespmem:v18+s14+$0x0] =	vst.idx.msk $0xffff, v6  }
0x178: {  	v18 =	vld @!p0 [tilespmem:$0x10120];
	_ =	sdelay $0x3  }
0x179: {  	v17 =	vor.u32 @!p0 $0x1000, v15  }
0x17a: {  	v18 =	vadd.s32 @!p0 v17, v18;
	_ =	sdelay $0x4  }
0x17b: {  	[tilespmem:v18+s16+$0x0] =	vst.idx.msk @!p0 $0xffff, v14  }
0x17c: {  	v18 =	vld [tilespmem:$0x10320];
	_ =	sdelay $0x4  }
0x17d: {  	v18 =	vadd.f32 $1.258291200e+07, v18;
	_ =	sdelay $0x1  }
0x17e: {  	v18 =	vadd.f32 $-1.258291200e+07, v18;
	_ =	sdelay $0x1  }
0x17f: {  	v18 =	vmax.f32 v18, $0.0e+00  }
0x180: {  	v18 =	vmin.f32 v18, $6.400000000e+01  }
0x181: {  	v18 =	vtrunc.f32 v18  }
0x182: {  	v18 =	vcvt.f32.s32 v18;
	_ =	sdelay $0x1  }
0x183: {  	v19 =	vadd.s32 v8, v18;
	_ =	sdelay $0x3  }
0x184: {  	[tilespmem:$0x10120] =	vst v18  }
0x185: {  	[tilespmem:v19+s14+$0x0] =	vst.idx.msk $0xffff, v6  }
0x186: {  	v19 =	vld @!p0 [tilespmem:$0x10130];
	_ =	sdelay $0x3  }
0x187: {  	v18 =	vor.u32 @!p0 $0x1800, v15  }
0x188: {  	v19 =	vadd.s32 @!p0 v18, v19;
	_ =	sdelay $0x4  }
0x189: {  	[tilespmem:v19+s16+$0x0] =	vst.idx.msk @!p0 $0xffff, v14  }
0x18a: {  	v19 =	vld [tilespmem:$0x10330];
	_ =	sdelay $0x4  }
0x18b: {  	v19 =	vadd.f32 $1.258291200e+07, v19;
	_ =	sdelay $0x1  }
0x18c: {  	v19 =	vadd.f32 $-1.258291200e+07, v19;
	_ =	sdelay $0x1  }
0x18d: {  	v19 =	vmax.f32 v19, $0.0e+00  }
0x18e: {  	v19 =	vmin.f32 v19, $6.400000000e+01  }
0x18f: {  	v19 =	vtrunc.f32 v19  }
0x190: {  	v19 =	vcvt.f32.s32 v19;
	_ =	sdelay $0x1  }
0x191: {  	v20 =	vadd.s32 v9, v19;
	_ =	sdelay $0x3  }
0x192: {  	[tilespmem:$0x10130] =	vst v19  }
0x193: {  	[tilespmem:v20+s14+$0x0] =	vst.idx.msk $0xffff, v6  }
0x194: {  	v20 =	vld @!p0 [tilespmem:$0x10140];
	_ =	sdelay $0x3  }
0x195: {  	v19 =	vor.u32 @!p0 $0x2000, v15  }
0x196: {  	v20 =	vadd.s32 @!p0 v19, v20;
	_ =	sdelay $0x4  }
0x197: {  	[tilespmem:v20+s16+$0x0] =	vst.idx.msk @!p0 $0xffff, v14  }
0x198: {  	v20 =	vld [tilespmem:$0x10340];
	_ =	sdelay $0x4  }
0x199: {  	v20 =	vadd.f32 $1.258291200e+07, v20;
	_ =	sdelay $0x1  }
0x19a: {  	v20 =	vadd.f32 $-1.258291200e+07, v20;
	_ =	sdelay $0x1  }
0x19b: {  	v20 =	vmax.f32 v20, $0.0e+00  }
0x19c: {  	v20 =	vmin.f32 v20, $6.400000000e+01  }
0x19d: {  	v20 =	vtrunc.f32 v20  }
0x19e: {  	v20 =	vcvt.f32.s32 v20;
	_ =	sdelay $0x1  }
0x19f: {  	v21 =	vadd.s32 v10, v20;
	_ =	sdelay $0x3  }
0x1a0: {  	[tilespmem:$0x10140] =	vst v20  }
0x1a1: {  	[tilespmem:v21+s14+$0x0] =	vst.idx.msk $0xffff, v6  }
0x1a2: {  	v21 =	vld @!p0 [tilespmem:$0x10150];
	_ =	sdelay $0x3  }
0x1a3: {  	v20 =	vor.u32 @!p0 $0x2800, v15  }
0x1a4: {  	v21 =	vadd.s32 @!p0 v20, v21;
	_ =	sdelay $0x4  }
0x1a5: {  	[tilespmem:v21+s16+$0x0] =	vst.idx.msk @!p0 $0xffff, v14  }
0x1a6: {  	v21 =	vld [tilespmem:$0x10350];
	_ =	sdelay $0x4  }
0x1a7: {  	v21 =	vadd.f32 $1.258291200e+07, v21;
	_ =	sdelay $0x1  }
0x1a8: {  	v21 =	vadd.f32 $-1.258291200e+07, v21;
	_ =	sdelay $0x1  }
0x1a9: {  	v21 =	vmax.f32 v21, $0.0e+00  }
0x1aa: {  	v21 =	vmin.f32 v21, $6.400000000e+01  }
0x1ab: {  	v21 =	vtrunc.f32 v21  }
0x1ac: {  	v21 =	vcvt.f32.s32 v21;
	_ =	sdelay $0x1  }
0x1ad: {  	v22 =	vadd.s32 v11, v21;
	_ =	sdelay $0x3  }
0x1ae: {  	[tilespmem:$0x10150] =	vst v21  }
0x1af: {  	[tilespmem:v22+s14+$0x0] =	vst.idx.msk $0xffff, v6  }
0x1b0: {  	v22 =	vld @!p0 [tilespmem:$0x10160];
	_ =	sdelay $0x3  }
0x1b1: {  	v21 =	vor.u32 @!p0 $0x3000, v15  }
0x1b2: {  	v22 =	vadd.s32 @!p0 v21, v22;
	_ =	sdelay $0x4  }
0x1b3: {  	[tilespmem:v22+s16+$0x0] =	vst.idx.msk @!p0 $0xffff, v14  }
0x1b4: {  	v22 =	vld [tilespmem:$0x10360];
	_ =	sdelay $0x4  }
0x1b5: {  	v22 =	vadd.f32 $1.258291200e+07, v22;
	_ =	sdelay $0x1  }
0x1b6: {  	v22 =	vadd.f32 $-1.258291200e+07, v22;
	_ =	sdelay $0x1  }
0x1b7: {  	v22 =	vmax.f32 v22, $0.0e+00  }
0x1b8: {  	v22 =	vmin.f32 v22, $6.400000000e+01  }
0x1b9: {  	v22 =	vtrunc.f32 v22  }
0x1ba: {  	v22 =	vcvt.f32.s32 v22;
	_ =	sdelay $0x1  }
0x1bb: {  	v23 =	vadd.s32 v12, v22;
	_ =	sdelay $0x3  }
0x1bc: {  	[tilespmem:$0x10160] =	vst v22  }
0x1bd: {  	[tilespmem:v23+s14+$0x0] =	vst.idx.msk $0xffff, v6  }
0x1be: {  	v23 =	vld @!p0 [tilespmem:$0x10170];
	_ =	sdelay $0x3  }
0x1bf: {  	v22 =	vor.u32 @!p0 $0x3800, v15  }
0x1c0: {  	v23 =	vadd.s32 @!p0 v22, v23;
	_ =	sdelay $0x4  }
0x1c1: {  	[tilespmem:v23+s16+$0x0] =	vst.idx.msk @!p0 $0xffff, v14  }
0x1c2: {  	v23 =	vld [tilespmem:$0x10370];
	_ =	sdelay $0x4  }
0x1c3: {  	v23 =	vadd.f32 $1.258291200e+07, v23;
	_ =	sdelay $0x1  }
0x1c4: {  	v23 =	vadd.f32 $-1.258291200e+07, v23;
	_ =	sdelay $0x1  }
0x1c5: {  	v23 =	vmax.f32 v23, $0.0e+00  }
0x1c6: {  	v23 =	vmin.f32 v23, $6.400000000e+01  }
0x1c7: {  	v23 =	vtrunc.f32 v23  }
0x1c8: {  	v23 =	vcvt.f32.s32 v23;
	_ =	sdelay $0x1  }
0x1c9: {  	v24 =	vadd.s32 v13, v23;
	_ =	sdelay $0x2  }
0x1ca: {  	s1 =	sadd.s32 s4, s1  }
0x1cb: {  	s1 =	sshll.u32 s1, $0xB;
	[tilespmem:$0x10170] =	vst v23  }
0x1cc: {  	s1 =	sadd.s32 s5, s1;
	[tilespmem:v24+s14+$0x0] =	vst.idx.msk $0xffff, v6  }
0x1cd: {  	[hbm4b:s1+s3] =	stream.linear.scatter [tilespmem:s14], [sflag:$0x3], $0x4000, $0x38;
	[tilespmem:$0x10400] =	vst v63  }
0x1ce: {  	s1 =	sadd.s32 @!p1 $0xFFFFFFF0, s31  }
.Ltmp8:
0x1cf: {  	s16 =	sadd.s32 @!p1 s12, s1;
	s1 =	sand.u32 @!p1 $0x60, s1;
	(pc) =	sbr.rel @!p2 .LBB2_16-.Ltmp8, $4  }
0x1d0: {  	s16 =	sand.u32 @!p1 $0x7FF80, s16;
	s1 =	sadd.s32 @!p1 s2, s1  }
0x1d1: {  	s17 =	simm.s32 @!p1 $0x10300;
	s1 =	sadd.s32 @!p1 s16, s1;
	s16 =	simm.s32 @!p1 $0x0  }
0x1d2: {  	[tilespmem:s17], [sflag:$0x7] =	stream.linear.gather @!p1 [hbm4b:s1+s16], $0x80, $0x38;
	[tilespmem:$0x10400] =	vst v63  }
0x1d3: {  	s1 =	smov.u32 s30  }
0x1d4: {  	_ =	swait.ge [sflag:s28], $0x4000  }
0x1d5: {  	s1 =	smov.u32 s30;
	[sflag:s28] =	ssyncset.done $0x0  }
0x1d6: {  	s1 =	simm.s32 @p1 $0x1FF;
	[sflag:s28] =	ssyncadd.s32 $0xFFFFC000  }
.LBB2_16:
0x1d7: {  	_ =	swait.ge [sflag:s23], $0x80  }
0x1d8: {  	[sflag:s23] =	ssyncset.done $0x0  }
0x1d9: {  	[sflag:s23] =	ssyncadd.s32 $0xFFFFFF80  }
0x1da: {  	v23 =	vld @!p0 [tilespmem:$0x10180];
	_ =	sdelay $0x4  }
0x1db: {  	v15 =	vadd.s32 @!p0 v15, v23;
	_ =	sdelay $0x3  }
0x1dc: {  	s16 =	simm.s32 @!p0 $0xC000  }
0x1dd: {  	[tilespmem:v15+s16+$0x0] =	vst.idx.msk @!p0 $0xffff, v14  }
0x1de: {  	v15 =	vld [tilespmem:$0x10380];
	_ =	sdelay $0x4  }
0x1df: {  	v15 =	vadd.f32 $1.258291200e+07, v15;
	_ =	sdelay $0x1  }
0x1e0: {  	v15 =	vadd.f32 $-1.258291200e+07, v15;
	_ =	sdelay $0x1  }
0x1e1: {  	v15 =	vmax.f32 v15, $0.0e+00  }
0x1e2: {  	v15 =	vmin.f32 v15, $6.400000000e+01  }
0x1e3: {  	v15 =	vtrunc.f32 v15  }
0x1e4: {  	v15 =	vcvt.f32.s32 v15;
	_ =	sdelay $0x1  }
0x1e5: {  	v57 =	vadd.s32 v1, v15;
	_ =	sdelay $0x3  }
0x1e6: {  	[tilespmem:$0x10180] =	vst v15  }
0x1e7: {  	[tilespmem:v57+s15+$0x0] =	vst.idx.msk $0xffff, v6  }
0x1e8: {  	v15 =	vld @!p0 [tilespmem:$0x10190];
	_ =	sdelay $0x4  }
0x1e9: {  	v15 =	vadd.s32 @!p0 v16, v15;
	_ =	sdelay $0x4  }
0x1ea: {  	[tilespmem:v15+s16+$0x0] =	vst.idx.msk @!p0 $0xffff, v14  }
0x1eb: {  	v15 =	vld [tilespmem:$0x10390];
	_ =	sdelay $0x4  }
0x1ec: {  	v15 =	vadd.f32 $1.258291200e+07, v15;
	_ =	sdelay $0x1  }
0x1ed: {  	v15 =	vadd.f32 $-1.258291200e+07, v15;
	_ =	sdelay $0x1  }
0x1ee: {  	v15 =	vmax.f32 v15, $0.0e+00  }
0x1ef: {  	v15 =	vmin.f32 v15, $6.400000000e+01  }
0x1f0: {  	v15 =	vtrunc.f32 v15  }
0x1f1: {  	v15 =	vcvt.f32.s32 v15;
	_ =	sdelay $0x1  }
0x1f2: {  	v58 =	vadd.s32 v7, v15;
	_ =	sdelay $0x3  }
0x1f3: {  	[tilespmem:$0x10190] =	vst v15  }
0x1f4: {  	[tilespmem:v58+s15+$0x0] =	vst.idx.msk $0xffff, v6  }
0x1f5: {  	v15 =	vld @!p0 [tilespmem:$0x101A0];
	_ =	sdelay $0x4  }
0x1f6: {  	v15 =	vadd.s32 @!p0 v17, v15;
	_ =	sdelay $0x4  }
0x1f7: {  	[tilespmem:v15+s16+$0x0] =	vst.idx.msk @!p0 $0xffff, v14  }
0x1f8: {  	v15 =	vld [tilespmem:$0x103A0];
	_ =	sdelay $0x4  }
0x1f9: {  	v15 =	vadd.f32 $1.258291200e+07, v15;
	_ =	sdelay $0x1  }
0x1fa: {  	v15 =	vadd.f32 $-1.258291200e+07, v15;
	_ =	sdelay $0x1  }
0x1fb: {  	v15 =	vmax.f32 v15, $0.0e+00  }
0x1fc: {  	v15 =	vmin.f32 v15, $6.400000000e+01  }
0x1fd: {  	v15 =	vtrunc.f32 v15  }
0x1fe: {  	v15 =	vcvt.f32.s32 v15;
	_ =	sdelay $0x1  }
0x1ff: {  	v59 =	vadd.s32 v8, v15;
	_ =	sdelay $0x3  }
0x200: {  	[tilespmem:$0x101A0] =	vst v15  }
0x201: {  	[tilespmem:v59+s15+$0x0] =	vst.idx.msk $0xffff, v6  }
0x202: {  	v15 =	vld @!p0 [tilespmem:$0x101B0];
	_ =	sdelay $0x4  }
0x203: {  	v15 =	vadd.s32 @!p0 v18, v15;
	_ =	sdelay $0x4  }
0x204: {  	[tilespmem:v15+s16+$0x0] =	vst.idx.msk @!p0 $0xffff, v14  }
0x205: {  	v15 =	vld [tilespmem:$0x103B0];
	_ =	sdelay $0x4  }
0x206: {  	v15 =	vadd.f32 $1.258291200e+07, v15;
	_ =	sdelay $0x1  }
0x207: {  	v15 =	vadd.f32 $-1.258291200e+07, v15;
	_ =	sdelay $0x1  }
0x208: {  	v15 =	vmax.f32 v15, $0.0e+00  }
0x209: {  	v15 =	vmin.f32 v15, $6.400000000e+01  }
0x20a: {  	v15 =	vtrunc.f32 v15  }
0x20b: {  	v15 =	vcvt.f32.s32 v15;
	_ =	sdelay $0x1  }
0x20c: {  	v60 =	vadd.s32 v9, v15;
	_ =	sdelay $0x3  }
0x20d: {  	[tilespmem:$0x101B0] =	vst v15  }
0x20e: {  	[tilespmem:v60+s15+$0x0] =	vst.idx.msk $0xffff, v6  }
0x20f: {  	v15 =	vld @!p0 [tilespmem:$0x101C0];
	_ =	sdelay $0x4  }
0x210: {  	v15 =	vadd.s32 @!p0 v19, v15;
	_ =	sdelay $0x4  }
0x211: {  	[tilespmem:v15+s16+$0x0] =	vst.idx.msk @!p0 $0xffff, v14  }
0x212: {  	v15 =	vld [tilespmem:$0x103C0];
	_ =	sdelay $0x4  }
0x213: {  	v15 =	vadd.f32 $1.258291200e+07, v15;
	_ =	sdelay $0x1  }
0x214: {  	v15 =	vadd.f32 $-1.258291200e+07, v15;
	_ =	sdelay $0x1  }
0x215: {  	v15 =	vmax.f32 v15, $0.0e+00  }
0x216: {  	v15 =	vmin.f32 v15, $6.400000000e+01  }
0x217: {  	v15 =	vtrunc.f32 v15  }
0x218: {  	v15 =	vcvt.f32.s32 v15;
	_ =	sdelay $0x1  }
0x219: {  	v61 =	vadd.s32 v10, v15;
	_ =	sdelay $0x3  }
0x21a: {  	[tilespmem:$0x101C0] =	vst v15  }
0x21b: {  	[tilespmem:v61+s15+$0x0] =	vst.idx.msk $0xffff, v6  }
0x21c: {  	v15 =	vld @!p0 [tilespmem:$0x101D0];
	_ =	sdelay $0x4  }
0x21d: {  	v15 =	vadd.s32 @!p0 v20, v15;
	_ =	sdelay $0x4  }
0x21e: {  	[tilespmem:v15+s16+$0x0] =	vst.idx.msk @!p0 $0xffff, v14  }
0x21f: {  	v15 =	vld [tilespmem:$0x103D0];
	_ =	sdelay $0x4  }
0x220: {  	v15 =	vadd.f32 $1.258291200e+07, v15;
	_ =	sdelay $0x1  }
0x221: {  	v15 =	vadd.f32 $-1.258291200e+07, v15;
	_ =	sdelay $0x1  }
0x222: {  	v15 =	vmax.f32 v15, $0.0e+00  }
0x223: {  	v15 =	vmin.f32 v15, $6.400000000e+01  }
0x224: {  	v15 =	vtrunc.f32 v15  }
0x225: {  	v15 =	vcvt.f32.s32 v15;
	_ =	sdelay $0x1  }
0x226: {  	v62 =	vadd.s32 v11, v15;
	_ =	sdelay $0x3  }
0x227: {  	[tilespmem:$0x101D0] =	vst v15  }
0x228: {  	[tilespmem:v62+s15+$0x0] =	vst.idx.msk $0xffff, v6  }
0x229: {  	v15 =	vld @!p0 [tilespmem:$0x101E0];
	_ =	sdelay $0x4  }
0x22a: {  	v15 =	vadd.s32 @!p0 v21, v15;
	_ =	sdelay $0x4  }
0x22b: {  	[tilespmem:v15+s16+$0x0] =	vst.idx.msk @!p0 $0xffff, v14  }
0x22c: {  	v15 =	vld [tilespmem:$0x103E0];
	_ =	sdelay $0x4  }
0x22d: {  	v15 =	vadd.f32 $1.258291200e+07, v15;
	_ =	sdelay $0x1  }
0x22e: {  	v15 =	vadd.f32 $-1.258291200e+07, v15;
	_ =	sdelay $0x1  }
0x22f: {  	v15 =	vmax.f32 v15, $0.0e+00  }
0x230: {  	v15 =	vmin.f32 v15, $6.400000000e+01  }
0x231: {  	v15 =	vtrunc.f32 v15  }
0x232: {  	v15 =	vcvt.f32.s32 v15;
	_ =	sdelay $0x1  }
0x233: {  	v63 =	vadd.s32 v12, v15;
	_ =	sdelay $0x3  }
0x234: {  	[tilespmem:$0x101E0] =	vst v15  }
0x235: {  	[tilespmem:v63+s15+$0x0] =	vst.idx.msk $0xffff, v6  }
0x236: {  	v15 =	vld @!p0 [tilespmem:$0x101F0];
	_ =	sdelay $0x4  }
0x237: {  	v15 =	vadd.s32 @!p0 v22, v15;
	_ =	sdelay $0x4  }
0x238: {  	[tilespmem:v15+s16+$0x0] =	vst.idx.msk @!p0 $0xffff, v14  }
0x239: {  	v14 =	vld [tilespmem:$0x103F0];
	_ =	sdelay $0x4  }
0x23a: {  	v14 =	vadd.f32 $1.258291200e+07, v14;
	_ =	sdelay $0x1  }
0x23b: {  	v14 =	vadd.f32 $-1.258291200e+07, v14;
	_ =	sdelay $0x1  }
0x23c: {  	v14 =	vmax.f32 v14, $0.0e+00  }
0x23d: {  	v14 =	vmin.f32 v14, $6.400000000e+01  }
0x23e: {  	v14 =	vtrunc.f32 v14  }
0x23f: {  	v14 =	vcvt.f32.s32 v14;
	_ =	sdelay $0x1  }
0x240: {  	v15 =	vadd.s32 v13, v14;
	_ =	sdelay $0x1  }
.Ltmp9:
0x241: {  	_ = 	snop;
	(pc) =	sbr.rel @p1 .LBB2_18-.Ltmp9, $4  }
0x242: {  	s1 =	sadd.s32 s4, s1  }
0x243: {  	s1 =	sshll.u32 s1, $0xB;
	[tilespmem:$0x101F0] =	vst v14  }
0x244: {  	s1 =	sadd.s32 s5, s1;
	[tilespmem:v15+s15+$0x0] =	vst.idx.msk $0xffff, v6  }
0x245: {  	[hbm4b:s1+s3] =	stream.linear.scatter [tilespmem:s15], [sflag:$0x4], $0x4000, $0x38;
	[tilespmem:$0x10400] =	vst v63  }
.Ltmp10:
0x246: {  	(pc) =	sbr.rel .LBB2_10-.Ltmp10, $4  }
0x247: {  	s1 =	sadd.s32 s31, s12;
	s16 =	sand.u32 $0x70, s31  }
0x248: {  	s11 =	sadd.s32 $0x2000, s11;
	s1 =	sand.u32 $0x7FF80, s1;
	s16 =	sadd.s32 s2, s16  }
0x249: {  	s30 =	sadd.s32 $0x4, s30;
	s31 =	sadd.s32 $0x40, s31;
	s1 =	sadd.s32 s1, s16  }
0x24a: {  	[tilespmem:s19], [sflag:$0x8] =	stream.linear.gather [hbm4b:s1+s3], $0x80, $0x38;
	[tilespmem:$0x10400] =	vst v63  }
.LBB2_19:
0x24b: {  	_ =	sfence.sel $0x180000  }
0x24c: {  	[bflag:$0x0] =	sbarrier.arrive $0xFFFF  }
0x24d: {  	_ =	strace $0x90000047  }
0x24e: {  	s0 =	stileid.u32;
	[bflag:$0x2] =	sbarrier.arrive $0xFFFF  }
0x24f: {  	p0 =	sne.s32 s0, $0x0;
	s0 =	rddreg [dreg:$0x2]  }
0x250: {  	s0 =	sadd.s32 @!p0 $0x100000, s0  }
0x251: {  	[sflag:s0] =	ssyncadd.tile.s32 @!p0 $0x1;
	_ =	shalt  }
.Lfunc_end2:
_tile_overlayer_lowered:
.L_overlay_start_2:
0x252: {  	(tag) =	ssettag $0x2  }
0x253: {  	s0 =	rddreg [dreg:$0x0];
	s2 =	stileid.u32  }
0x254: {  	s1 =	rddreg [dreg:$0x1];
	p0 =	sne.s32 s2, $0x0  }
0x255: {  	s3 =	rddreg [dreg:$0x2];
	[bflag:$0x3] =	sbarrier.arrive $0xFFFF;
	s2 =	simm.s32 @!p0 $0x1C09  }
0x256: {  	[timem:s3], [sflag:s2] =	dma.local @!p0 [hbm:s0], s1  }
0x257: {  	s0 =	simm.s32 @!p0 $0x9  }
0x258: {  	_ =	swait.ge @!p0 [sflag:s0], s1  }
0x259: {  	s1 =	ssub.s32 @!p0 $0x0, s1;
	[sflag:s0] =	ssyncset.done @!p0 $0x0  }
0x25a: {  	[sflag:s0] =	ssyncadd.s32 @!p0 s1  }
0x25b: {  	[bflag:$0x3] =	sbarrier.arrive $0xFFFF  }
0x25c: {  	_ =	shalt  }

// kernel: sparse-core-data-format-call.cloned.1.call-start
scs
called_computation_lowered:
.L_overlay_start_0:
0x0: {  	s2 =	sld [smem:$0x3FD9]  }
0x1: {  	s3 =	sld [smem:$0x3FFE];
	_ =	sdelay $0x1  }
0x2: {  	s1 =	srdreg.scid  }
0x3: {  	s0 =	sand.u32 $0x1, s1  }
0x4: {  	s18 =	sshll.u32 s0, $0xA;
	s2 =	sadd.s32 s3, s2  }
0x5: {  	s2 =	sadd.s32 s2, s18  }
0x6: {  	[smem:$0x3FC7] =	sst s2  }
0x7: {  	_ = 	snop  }
0x8: {  	s2 =	sld [smem:$0x3FD0];
	(tm) =	ssettm $0x1  }
0x9: {  	s19 =	sld [smem:$0x3FFB];
	_ =	sdelay $0x3  }
0xa: {  	_ =	strace s19  }
0xb: {  	s3 =	sld [smem:$0x3FFC];
	_ =	sdelay $0x3  }
0xc: {  	_ =	strace s3  }
0xd: {  	s3 =	sld [smem:$0x3FFD];
	_ =	sdelay $0x3  }
0xe: {  	_ =	strace s3  }
0xf: {  	_ =	strace $0x8FFFFFFF  }
0x10: {  	s20 =	sld [smem:$0x3FDB];
	_ =	sdelay $0x1  }
0x11: {  	s4 =	simm.s32 $_scs_section_size  }
0x12: {  	s5 =	simm.s32 $_size__tile_overlayer_lowered;
	s6 =	simm.s32 $_tile_overlayer_lowered  }
0x13: {  	s23 =	simm.s32 $0x1BFF;
	s22 =	sshll.u32 s6, $0x1;
	s3 =	sadd.s32 s4, s20  }
0x14: {  	s7 =	simm.s32 $0x0;
	s21 =	sshll.u32 s5, $0x1;
	s5 =	sadd.s32 s22, s3  }
0x15: {  	[timem:s7], [sflag:s23] =	dma.local [hbm:s5], s21  }
0x16: {  	_ =	swait.ge [sflag:s23], s21  }
0x17: {  	s4 =	ssub.s32 $0x0, s21;
	[sflag:s23] =	ssyncset.done $0x0  }
0x18: {  	[sflag:s23] =	ssyncadd.s32 s4;
	_ =	sdelay $0x1  }
0x19: {  	s24 =	simm.s32 $0x1B8B  }
0x1a: {  	_ =	swait.ge [sflag:s24], $0x1  }
0x1b: {  	[sflag:s24] =	ssyncset.done $0x0  }
0x1c: {  	s26 =	simm.s32 $0x1B8E;
	s25 =	sld [smem:$0x3FFE];
	[sflag:s24] =	ssyncadd.s32 $0xFFFFFFFF  }
0x1d: {  	s27 =	simm.s32 $execute0_lowered;
	[smem:$0x3FD2] =	sst s26  }
0x1e: {  	s5 =	sshll.u32 s27, $0x1;
	_ =	strace $0x80000049;
	[dreg:$0x1] =	wrdreg $0xFFFFFFFF  }
0x1f: {  	s28 =	simm.s32 $_size_execute0_lowered;
	s3 =	sadd.s32 s3, s5;
	[dreg:$0x0] =	wrdreg $0x0  }
0x20: {  	s5 =	sshll.u32 s28, $0x1;
	[dreg:$0x2] =	wrdreg s3  }
0x21: {  	[dreg:$0x3] =	wrdreg s5  }
0x22: {  	[dreg:$0x4] =	wrdreg $0xC0  }
0x23: {  	_ =	task [dreg:s7], $0x5FFFF  }
0x24: {  	[dreg:$0x1] =	wrdreg $0xFFFFFFFF  }
0x25: {  	[dreg:$0x0] =	wrdreg $0x60  }
0x26: {  	[dreg:$0x2] =	wrdreg s25  }
0x27: {  	[dreg:$0x3] =	wrdreg s2  }
0x28: {  	[dreg:$0x4] =	wrdreg $0x9  }
0x29: {  	_ =	task.clear_ibuf [dreg:s7], $0x5FFFF;
	_ =	strace $0x90000049  }
0x2a: {  	s29 =	simm.s32 $0x9;
	_ =	strace $0x8000004B  }
0x2b: {  	_ =	swait.ge [sflag:s29], $0x1  }
0x2c: {  	[sflag:s29] =	ssyncadd.s32 $0xFFFFFFFF  }
0x2d: {  	_ =	strace $0x9000004B  }
0x2e: {  	_ =	sfence  }
0x2f: {  	s30 =	sld [smem:$0x0];
	_ =	sdelay $0x2  }
0x30: {  	s31 =	sshll.u32 s1, $0xD;
	s1 =	sshrl.u32 s1, $0x2  }
0x31: {  	s3 =	sand.u32 $0x4000, s31;
	s1 =	sadd.s32 s1, s30  }
0x32: {  	s0 =	sor.u32 s3, s0;
	s1 =	sshll.u32 s1, $0x11  }
0x33: {  	s0 =	sor.u32 s1, s0  }
0x34: {  	s0 =	sadd.s32 $0x8F2B, s0  }
0x35: {  	[sflag:s0] =	ssyncadd.remote.s32 $0x1  }
0x36: {  	_ =	sfence.sel $0xFFFF  }
0x37: {  	[dreg:$0x0] =	wrdreg $0xFFFFFFFF;
	(pc) =	sbr.abs _section_cstart, $3  }
0x38: {  	[dreg:$0x1] =	wrdreg $0xFFFFFFFF  }
0x39: {  	_ =	task.clear_ibuf [dreg:s7], $0x2FFFF;
	_ =	strace $0x9FFFFFFF  }
0x3a: {  	(tm) =	ssettm $0x7FFFFFFF  }
0x3b: {  	_ =	shalt  }
tec
execute0_lowered:
.L_overlay_start_1:
0x0: {  	(tag) =	ssettag $0x1  }
0x1: {  	s1 =	rddreg [dreg:$0x0]  }
0x2: {  	s2 =	rddreg [dreg:$0x1]  }
0x3: {  	s0 =	rddreg [dreg:$0x2]  }
0x4: {  	s4 =	srdreg.scid;
	_ =	strace $0x8000004A;
	s6 =	simm.s32 $0x2  }
0x5: {  	s12 =	simm.s32 $0x0;
	p0 =	por $0x0, $0x0;
	s13 =	simm.s32 $0x0  }
.Ltmp0:
0x6: {  	s8 =	simm.s32 $0x0;
	s9 =	simm.s32 $0x0;
	(pc) =	sbr.rel .LBB1_1-.Ltmp0, $4  }
0x7: {  	s10 =	simm.s32 $0x0;
	s3 =	sadd.s32 $0x800, s1;
	s4 =	sshll.u32 s4, $0x4  }
0x8: {  	s1 =	stileid.u32;
	s5 =	sand.u32 $0x10, s4;
	s4 =	simm.s32 $0x1  }
0x9: {  	s7 =	simm.s32 $0x0;
	s5 =	sor.u32 s1, s5;
	[sflag:s4] =	ssyncpa.u1 $0x0  }
0xa: {  	[sflag:s6] =	ssyncpa.u1 $0x0;
	s6 =	simm.s32 $0x200000;
	s11 =	smov.u32 s5  }
.LBB1_5:
0xb: {  	p1 =	slt.u32 s7, $0x2  }
0xc: {  	s15 =	smov.u32 s13;
	p2 =	sgt.s32 @!p1 s13, $0xFFF;
	s14 =	sshra.s32 @!p1 s13, $0x1F  }
0xd: {  	p3 =	sgt.s32 @!p1 s12, $0x180;
	s16 =	sshra.s32 @!p1 s12, $0x1F;
	p2 =	por !p2, p1  }
0xe: {  	s13 =	sand.u32 @!p1 s14, s13;
	p3 =	por !p3, p1;
	s14 =	smov.u32 s12  }
0xf: {  	s12 =	sand.u32 @!p1 s16, s12;
	s15 =	simm.s32 @p2 $0xFFF;
	s14 =	simm.s32 @p3 $0x180  }
0x10: {  	s16 =	smov.u32 s11;
	s13 =	ssub.s32 @!p1 s15, s13;
	s12 =	ssub.s32 @!p1 s14, s12  }
0x11: {  	s14 =	sadd.s32 @!p1 $0xFFFFF001, s13;
	s13 =	ssub.s32 @!p1 $0x1000, s13;
	s15 =	sadd.s32 @!p1 $0xFFFFFE80, s12  }
0x12: {  	p2 =	sgt.s32 @!p1 s14, $0x0;
	s13 =	smul.u32 @!p1 $0x41, s13;
	p3 =	sgt.s32 @!p1 s15, $0x7F  }
0x13: {  	s12 =	ssub.s32 @!p1 $0x200, s12;
	p2 =	por !p2, p1;
	p3 =	por !p3, p1  }
0x14: {  	s14 =	sadd.s32 $0x80, s10;
	s13 =	simm.s32 @!p2 $0x0;
	s12 =	simm.s32 @!p3 $0x0  }
0x15: {  	p2 =	sgt.s32 s14, $0x1FF;
	s12 =	smul.u32 @!p1 s12, s13;
	s13 =	sadd.s32 $0x20, s11  }
0x16: {  	s16 =	smov.u32 @p2 s13  }
0x17: {  	s7 =	sadd.s32 $0x1, s7;
	s14 =	simm.s32 @p2 $0x0;
	p2 =	sgt.s32 s16, $0xFFF  }
0x18: {  	s16 =	smov.u32 @p2 s5;
	p2 =	sne.s32 s7, $0x202  }
.Ltmp1:
0x19: {  	p0 =	por !p0, !p0;
	(pc) =	sbr.rel @!p2 .LBB1_6-.Ltmp1, $4  }
0x1a: {  	s15 =	simm.s32 @!p1 $0x2;
	s13 =	smov.u32 s9;
	s12 =	sand.u32 @!p1 $0x3FFFFFFF, s12  }
0x1b: {  	s9 =	smov.u32 s11;
	_ =	swait.ge @!p1 [sflag:s15], s12;
	s17 =	ssub.s32 @!p1 $0x0, s12  }
0x1c: {  	s12 =	smov.u32 s8;
	s8 =	smov.u32 s10;
	[sflag:s15] =	ssyncset.done @!p1 $0x0  }
0x1d: {  	s10 =	smov.u32 s14;
	s11 =	smov.u32 s16;
	[sflag:s15] =	ssyncadd.s32 @!p1 s17  }
.LBB1_1:
0x1e: {  	p1 =	sgt.u32 s7, $0x1FF  }
0x1f: {  	s14 =	sxor.u32 @!p1 $0xFFFFFFFF, s7;
	s15 =	sshll.u32 @!p1 s11, $0xD;
	s16 =	sshll.u32 @!p1 s10, $0x4  }
0x20: {  	s14 =	sshll.u32 @!p1 s14, $0xE;
	s16 =	sand.u32 @!p1 $0x1FF0, s16;
	s15 =	sadd.s32 @!p1 s3, s15  }
0x21: {  	s14 =	sand.u32 @!p1 $0x4000, s14;
	s15 =	sadd.s32 @!p1 s16, s15;
	s16 =	simm.s32 @!p1 $0x0  }
0x22: {  	[tilespmem:s14], [sflag:$0x1] =	stream.linear.gather @!p1 [hbm4b:s15+s16], $0x4000, $0x38;
	[tilespmem:$0x10100] =	vst v63  }
0x23: {  	p1 =	seq.s32 s7, $0x0  }
0x24: {  	p2 =	seq.s32 @!p1 s7, $0x201  }
0x25: {  	p1 =	por p1, p2  }
.Ltmp2:
0x26: {  	_ = 	snop;
	(pc) =	sbr.rel @p1 .LBB1_5-.Ltmp2, $1  }
0x27: {  	_ =	sdelay $0x3  }
0x28: {  	s14 =	simm.s32 $0x1  }
0x29: {  	_ =	swait.ge [sflag:s4], $0x4000;
	s14 =	simm.s32 @!p0 $0x0  }
0x2a: {  	[sflag:s4] =	ssyncset.done $0x0;
	s15 =	sshll.u32 s14, $0xE  }
0x2b: {  	[sflag:s4] =	ssyncadd.s32 $0xFFFFC000;
	s15 =	sor.u32 $0x40, s15  }
0x2c: {  	s14 =	smul.u32 $0x10200, s14;
	v0 =	vld [tilespmem:s15+$0x30]  }
0x2d: {  	v1 =	vld [tilespmem:s15+$0xFFFFFFD0]  }
0x2e: {  	s14 =	sshrl.u32 s14, $0x2;
	v5 =	vld [tilespmem:s15+$0xFFFFFFE0]  }
0x2f: {  	v6 =	vld [tilespmem:s15+$0xFFFFFFF0];
	s17 =	sor.u32 $0x8000, s14  }
0x30: {  	s31 =	sand.u32 $0x1, s7;
	v4 =	vld [tilespmem:s15+$0x0];
	s16 =	sadd.s32 $0x0, s17  }
0x31: {  	v3 =	vld [tilespmem:s15+$0x10];
	s14 =	smul.u32 $0x10200, s31;
	[tilespmem:s16+$0x3870 ss:$0x81] =	vst.msk $0xffff, v0  }
0x32: {  	v2 =	vld [tilespmem:s15+$0x20];
	[tilespmem:s16+$0x810 ss:$0x81] =	vst.msk $0xffff, v1  }
0x33: {  	s14 =	sshrl.u32 s14, $0x2;
	v0 =	vld [tilespmem:s15+$0xFFFFFFC0];
	[tilespmem:s16+$0x1020 ss:$0x81] =	vst.msk $0xffff, v5;
	s15 =	sadd.s32 $0x80, s15  }
0x34: {  	s18 =	simm.s32 $0x4;
	s19 =	simm.s32 $0x8;
	s14 =	sor.u32 $0x8000, s14;
	[tilespmem:s16+$0x1830 ss:$0x81] =	vst.msk $0xffff, v6;
	v1 =	vld [tilespmem:s15+$0x30]  }
.LBB1_3:
0x35: {  	p1 =	sne.s32 s19, $0x1FC;
	v5 =	vld [tilespmem:s15+$0xFFFFFFD0];
	[tilespmem:s16+$0x2040 ss:$0x81] =	vst.msk $0xffff, v4  }
0x36: {  	v6 =	vld [tilespmem:s15+$0xFFFFFFE0];
	[tilespmem:s16+$0x2850 ss:$0x81] =	vst.msk $0xffff, v3  }
0x37: {  	s20 =	sshra.s32 s18, $0x2;
	s18 =	smov.u32 s19;
	v7 =	vld [tilespmem:s15+$0xFFFFFFF0];
	[tilespmem:s16+$0x3060 ss:$0x81] =	vst.msk $0xffff, v2  }
.Ltmp3:
0x38: {  	v4 =	vld [tilespmem:s15+$0x0];
	[tilespmem:s16+$0x0 ss:$0x81] =	vst.msk $0xffff, v0;
	s16 =	sadd.s32 s20, s17;
	(pc) =	sbr.rel @p1 .LBB1_3-.Ltmp3, $4  }
0x39: {  	v3 =	vld [tilespmem:s15+$0x10];
	[tilespmem:s16+$0x3870 ss:$0x81] =	vst.msk $0xffff, v1  }
0x3a: {  	[tilespmem:s16+$0x810 ss:$0x81] =	vst.msk $0xffff, v5;
	v2 =	vld [tilespmem:s15+$0x20]  }
0x3b: {  	v0 =	vld [tilespmem:s15+$0xFFFFFFC0];
	[tilespmem:s16+$0x1020 ss:$0x81] =	vst.msk $0xffff, v6;
	s15 =	sadd.s32 $0x80, s15  }
0x3c: {  	s19 =	sadd.s32 $0x4, s19;
	v1 =	vld [tilespmem:s15+$0x30];
	[tilespmem:s16+$0x1830 ss:$0x81] =	vst.msk $0xffff, v7  }
0x3d: {  	v5 =	vld [tilespmem:s15+$0xFFFFFFD0]  }
0x3e: {  	v58 =	vld [tilespmem:s15+$0xFFFFFFE0]  }
0x3f: {  	s18 =	sshra.s32 s18, $0x2;
	p1 =	sgt.s32 s9, $0xFFF;
	s19 =	smov.u32 s9;
	v59 =	vld [tilespmem:s15+$0xFFFFFFF0]  }
0x40: {  	s20 =	sshra.s32 s9, $0x1F;
	s22 =	sshra.s32 s8, $0x1F;
	v60 =	vld [tilespmem:s15+$0x0];
	s25 =	sshll.u32 s8, $0x3  }
0x41: {  	[tilespmem:s16+$0x2040 ss:$0x81] =	vst.msk $0xffff, v4;
	v61 =	vld [tilespmem:s15+$0x10];
	s27 =	sshll.u32 s9, $0x7;
	s28 =	sand.u32 $0x78, s8;
	s17 =	sadd.s32 s18, s17  }
0x42: {  	v62 =	vld [tilespmem:s15+$0x20];
	s19 =	simm.s32 @!p1 $0xFFF;
	s21 =	sand.u32 s20, s9;
	[tilespmem:s16+$0x2850 ss:$0x81] =	vst.msk $0xffff, v3;
	p1 =	sgt.s32 s8, $0x180  }
0x43: {  	v63 =	vld [tilespmem:s15+$0xFFFFFFC0];
	s20 =	sand.u32 s22, s8;
	s15 =	sand.u32 $0x380, s27;
	s18 =	ssub.s32 s19, s21;
	[tilespmem:s16+$0x3060 ss:$0x81] =	vst.msk $0xffff, v2  }
0x44: {  	s19 =	smov.u32 s8;
	s21 =	sshll.u32 s9, $0x9;
	s15 =	sor.u32 s15, s28;
	[tilespmem:s16+$0x0 ss:$0x81] =	vst.msk $0xffff, v0  }
0x45: {  	s19 =	simm.s32 @!p1 $0x180;
	s23 =	sand.u32 $0x1FF000, s21;
	s24 =	ssub.s32 $0x1000, s18;
	[tilespmem:s17+$0x3870 ss:$0x81] =	vst.msk $0xffff, v1  }
0x46: {  	s18 =	sadd.s32 $0xFFFFF001, s18;
	s19 =	ssub.s32 s19, s20;
	s21 =	smul.u32 $0x41, s24;
	[tilespmem:s17+$0x810 ss:$0x81] =	vst.msk $0xffff, v5  }
0x47: {  	s16 =	sadd.s32 s23, s25;
	p1 =	sgt.s32 s18, $0x0;
	s26 =	sadd.s32 $0xFFFFFE80, s19;
	[tilespmem:s17+$0x1020 ss:$0x81] =	vst.msk $0xffff, v58  }
0x48: {  	[tilespmem:s17+$0x1830 ss:$0x81] =	vst.msk $0xffff, v59;
	s19 =	ssub.s32 $0x200, s19;
	s21 =	simm.s32 @p1 $0x0;
	p1 =	sgt.s32 s26, $0x7F  }
.Ltmp4:
0x49: {  	[tilespmem:s17+$0x2040 ss:$0x81] =	vst.msk $0xffff, v60;
	s16 =	sand.u32 $0x1FFC00, s16;
	s19 =	simm.s32 @p1 $0x0;
	(pc) =	sbr.rel .LBB1_5-.Ltmp4, $4  }
0x4a: {  	s30 =	sand.u32 $0x7, s8;
	[tilespmem:s17+$0x2850 ss:$0x81] =	vst.msk $0xffff, v61;
	s15 =	sor.u32 s16, s15;
	s29 =	smul.u32 s19, s21  }
0x4b: {  	[tilespmem:s17+$0x3060 ss:$0x81] =	vst.msk $0xffff, v62;
	s16 =	sshll.u32 s30, $0x12;
	s15 =	sshrl.u32 s15, $0x3  }
0x4c: {  	[tilespmem:s17+$0x0 ss:$0x81] =	vst.msk $0xffff, v63;
	s16 =	sor.u32 $0x80, s16;
	s15 =	sadd.s32 s2, s15;
	s31 =	sand.u32 $0x3FFFFFFF, s29  }
0x4d: {  	[hbm4b:s15+s16] =	stream.strided.scatter [tilespmem:s14], [sflag:$0x2], s31, s6, s16, $0x20;
	[tilespmem:$0x10100] =	vst v63  }
.LBB1_6:
0x4e: {  	_ =	sfence.sel $0x180000  }
0x4f: {  	s2 =	simm.s32 $0x1;
	[bflag:$0x0] =	sbarrier.arrive $0xFFFF  }
0x50: {  	s31 =	simm.s32 $0x2;
	[sflag:s2] =	ssyncpa.u1 $0x1  }
0x51: {  	[sflag:s31] =	ssyncpa.u1 $0x1  }
0x52: {  	p0 =	sne.s32 s1, $0x0;
	_ =	strace $0x9000004A  }
0x53: {  	s0 =	sadd.s32 @!p0 $0x100000, s0;
	[bflag:$0x2] =	sbarrier.arrive $0xFFFF  }
0x54: {  	[sflag:s0] =	ssyncadd.tile.s32 @!p0 $0x1;
	_ =	shalt  }
.Lfunc_end1:
_tile_overlayer_lowered:
.L_overlay_start_2:
0x55: {  	(tag) =	ssettag $0x2  }
0x56: {  	s0 =	rddreg [dreg:$0x0];
	s2 =	stileid.u32  }
0x57: {  	s1 =	rddreg [dreg:$0x1];
	p0 =	sne.s32 s2, $0x0  }
0x58: {  	s3 =	rddreg [dreg:$0x2];
	[bflag:$0x3] =	sbarrier.arrive $0xFFFF;
	s2 =	simm.s32 @!p0 $0x1C01  }
0x59: {  	[timem:s3], [sflag:s2] =	dma.local @!p0 [hbm:s0], s1  }
0x5a: {  	s0 =	simm.s32 @!p0 $0x1  }
0x5b: {  	_ =	swait.ge @!p0 [sflag:s0], s1  }
0x5c: {  	s1 =	ssub.s32 @!p0 $0x0, s1;
	[sflag:s0] =	ssyncset.done @!p0 $0x0  }
0x5d: {  	[sflag:s0] =	ssyncadd.s32 @!p0 s1  }
0x5e: {  	[bflag:$0x3] =	sbarrier.arrive $0xFFFF  }
0x5f: {  	_ =	shalt  }

</sc_bundles>
